<compile_context>
chip_gen: v7x
topology: tpu7x:2x2x1
jax: 0.10.2.dev20260603
libtpu: 0.0.44.dev20260713+nightly
codegen_flags: <defaults>
</compile_context>

<pallas_src>
import functools

import jax
import jax.numpy as jnp
from jax import lax
from jax.experimental import pallas as pl
from jax.experimental.pallas import tpu as pltpu
from jax.experimental.pallas import tpu_sc as plsc

_E = 320000
_D = 128
_CH = 128
_NCH = _E // _CH
_NC = 2
_NS = 16
_NW = _NC * _NS
_TROWS = 224


def _table_body(w0_ref, w1_ref, w2_ref, t_ref):
    r = lax.broadcasted_iota(jnp.int32, (_TROWS, 8), 0)
    k = lax.broadcasted_iota(jnp.int32, (_TROWS, 8), 1)
    a0 = (r // 32 == k).astype(jnp.float32)[:, :7]
    a1 = ((r // 4) % 8 == k).astype(jnp.float32)
    a2 = (r % 4 == k).astype(jnp.float32)[:, :4]
    t_ref[...] = (
        jnp.dot(a0, w0_ref[...], preferred_element_type=jnp.float32)
        + jnp.dot(a1, w1_ref[...], preferred_element_type=jnp.float32)
        + jnp.dot(a2, w2_ref[...], preferred_element_type=jnp.float32)
    )


def _build_table(w0, w1, w2):
    return pl.pallas_call(
        _table_body,
        out_shape=jax.ShapeDtypeStruct((_TROWS, _D), jnp.float32),
    )(w0, w1, w2)


_SC = 256
_NSC = _E // _SC
_NQ = _SC // _CH
_MAXI = (_NSC + _NW - 1) // _NW + 1


def _sc_gather(a3, table):
    mesh = plsc.VectorSubcoreMesh(core_axis_name="c", subcore_axis_name="s")

    @functools.partial(
        pl.kernel,
        out_type=jax.ShapeDtypeStruct((_E, _D), jnp.float32),
        mesh=mesh,
        scratch_types=[
            pltpu.VMEM((3 * _SC,), jnp.int32),
            pltpu.VMEM((3 * _SC,), jnp.int32),
            pltpu.VMEM((_CH,), jnp.int32),
            pltpu.VMEM((_CH,), jnp.int32),
            pltpu.VMEM((_CH,), jnp.int32),
            pltpu.VMEM((_CH,), jnp.int32),
            pltpu.VMEM((_SC, _D), jnp.float32),
            pltpu.VMEM((_SC, _D), jnp.float32),
            pltpu.VMEM_SHARED((_TROWS, _D), jnp.float32),
            pltpu.SemaphoreType.DMA,
            pltpu.SemaphoreType.DMA,
            pltpu.SemaphoreType.DMA,
            pltpu.SemaphoreType.DMA,
            pltpu.SemaphoreType.DMA,
        ],
    )
    def k(a3_hbm, t_hbm, out_hbm,
          a3v0, a3v1, cx00, cx01, cx10, cx11, rows0, rows1, t_sh,
          semi0, semi1, semo0, semo1, semg):
        a3v = (a3v0, a3v1)
        cx = ((cx00, cx01), (cx10, cx11))
        rows = (rows0, rows1)
        semi = (semi0, semi1)
        semo = (semo0, semo1)

        cid = lax.axis_index("c")
        sid = lax.axis_index("s")
        wid = sid * _NC + cid

        niter = (_NSC - wid + _NW - 1) // _NW

        pltpu.async_copy(a3_hbm.at[pl.ds(wid * (3 * _SC), 3 * _SC)],
                         a3v[0], semi[0])

        @pl.when(sid == 0)
        def _stage():
            pltpu.sync_copy(t_hbm, t_sh)

        plsc.subcore_barrier()

        def body(j, carry):
            for b in range(2):
                i = j * 2 + b

                @pl.when(i < niter)
                def _do():
                    s = wid + i * _NW
                    base = s * _SC
                    pltpu.make_async_copy(
                        a3_hbm.at[pl.ds(0, 3 * _SC)], a3v[b], semi[b]).wait()
                    @pl.when(i + 1 < niter)
                    def _pf():
                        nbase = (wid + (i + 1) * _NW) * (3 * _SC)
                        pltpu.async_copy(
                            a3_hbm.at[pl.ds(nbase, 3 * _SC)],
                            a3v[1 - b], semi[1 - b])
                    av = a3v[b]
                    for q in range(_NQ):
                        cq = cx[b][q]
                        for t in range(_CH // 16):
                            o = q * _CH + 16 * t
                            s0 = pl.ds(o, 16)
                            s1 = pl.ds(o + _SC, 16)
                            s2 = pl.ds(o + 2 * _SC, 16)
                            cq[pl.ds(16 * t, 16)] = (
                                av[s0] * 32 + av[s1] * 4 + av[s2])
                    @pl.when(i >= 2)
                    def _drain():
                        pltpu.make_async_copy(
                            rows[b], out_hbm.at[pl.ds(0, _SC)], semo[b]).wait()
                    for q in range(_NQ):
                        pltpu.async_copy(
                            t_sh.at[cx[b][q]],
                            rows[b].at[pl.ds(q * _CH, _CH)], semg)
                    for q in range(_NQ):
                        pltpu.make_async_copy(
                            t_sh.at[cx[b][q]],
                            rows[b].at[pl.ds(q * _CH, _CH)], semg).wait()
                    pltpu.async_copy(rows[b], out_hbm.at[pl.ds(base, _SC)],
                                     semo[b])
            return carry

        lax.fori_loop(0, _MAXI // 2, body, 0)

        pltpu.make_async_copy(rows[0], out_hbm.at[pl.ds(0, _SC)], semo[0]).wait()
        pltpu.make_async_copy(rows[1], out_hbm.at[pl.ds(0, _SC)], semo[1]).wait()

    return k(a3, table)


def kernel(edge_attr, W0, W1, W2):
    ea = edge_attr.astype(jnp.int32)
    a3 = ea.reshape(_NSC, _SC, 3).transpose(0, 2, 1).reshape(-1)
    table = _build_table(W0, W1, W2)
    return _sc_gather(a3, table)

# --- scband reference (transcript-rebuilt; emitter-appended) ---
"""Pipeline reference for scband-bond-encoder-42949672961894 (READ-ONLY COPY).

The authoritative reference and input builder live on the scoring server;
editing this copy changes nothing except your own understanding.
"""

import jax, jax.numpy as jnp
import numpy as np

FULL_BOND_FEATURE_DIMS = [5, 6, 2]  # OGB get_bond_feature_dims()
EMB_DIM = 128
E = 320000

def _xavier_uniform(key, shape):
    fan_in, fan_out = shape[0], shape[1]
    a = np.sqrt(6.0 / (fan_in + fan_out))
    return jax.random.uniform(key, shape, dtype=jnp.float32, minval=-a, maxval=a)

def setup_inputs(seed: int = 0) -> dict:
    key = jax.random.key(seed)
    k_idx, k0, k1, k2 = jax.random.split(key, 4)
    # indices must be in-range for the smallest table (2+2=4 rows)
    edge_attr = jax.random.randint(k_idx, (E, 3), 0, 4, dtype=jnp.int64)
    W0 = _xavier_uniform(k0, (FULL_BOND_FEATURE_DIMS[0] + 2, EMB_DIM))
    W1 = _xavier_uniform(k1, (FULL_BOND_FEATURE_DIMS[1] + 2, EMB_DIM))
    W2 = _xavier_uniform(k2, (FULL_BOND_FEATURE_DIMS[2] + 2, EMB_DIM))
    return {"edge_attr": edge_attr, "W0": W0, "W1": W1, "W2": W2}

def reference(edge_attr, W0, W1, W2):
    # bond_embedding = sum_i emb_i(edge_attr[:, i])
    out = jnp.take(W0, edge_attr[:, 0], axis=0)
    out = out + jnp.take(W1, edge_attr[:, 1], axis=0)
    out = out + jnp.take(W2, edge_attr[:, 2], axis=0)
    return out

if __name__ == "__main__":
    import jax
    _d = setup_inputs()
    print(jax.jit(kernel)(*tuple(_d.values())))

</pallas_src>

<mosaic_0001>
#map = affine_map<(d0, d1) -> (0)>
#map1 = affine_map<(d0, d1) -> (0, 0)>
module attributes {stable_mosaic.version = 14 : i64} {
  func.func @k(%arg0: i32, %arg1: i32, %arg2: memref<960000xi32, #tpu.memory_space<hbm>>, %arg3: memref<224x128xf32, #tpu.memory_space<hbm>>, %arg4: memref<320000x128xf32, #tpu.memory_space<hbm>>, %arg5: memref<768xi32, #tpu.memory_space<vmem>>, %arg6: memref<768xi32, #tpu.memory_space<vmem>>, %arg7: memref<128xi32, #tpu.memory_space<vmem>>, %arg8: memref<128xi32, #tpu.memory_space<vmem>>, %arg9: memref<128xi32, #tpu.memory_space<vmem>>, %arg10: memref<128xi32, #tpu.memory_space<vmem>>, %arg11: memref<256x128xf32, #tpu.memory_space<vmem>>, %arg12: memref<256x128xf32, #tpu.memory_space<vmem>>, %arg13: memref<224x128xf32, #tpu.memory_space<vmem_shared>>, %arg14: memref<!tpu.dma_semaphore, #tpu.memory_space<semaphore_mem>>, %arg15: memref<!tpu.dma_semaphore, #tpu.memory_space<semaphore_mem>>, %arg16: memref<!tpu.dma_semaphore, #tpu.memory_space<semaphore_mem>>, %arg17: memref<!tpu.dma_semaphore, #tpu.memory_space<semaphore_mem>>, %arg18: memref<!tpu.dma_semaphore, #tpu.memory_space<semaphore_mem>>) attributes {dimension_semantics = [#tpu.dimension_semantics<core_parallel>, #tpu.dimension_semantics<subcore_parallel>], iteration_bounds = array<i64: 2, 16>, scalar_prefetch = 0 : i64, scratch_operands = 14 : i64, tpu.core_type = #tpu.core_type<sc_vector_subcore>, window_params = [{transform_indices = #map}, {transform_indices = #map1}, {transform_indices = #map1}]} {
    %mul3A = arith.constant 2 : i32
    %mul3A_0 = arith.muli %arg1, %mul3A : i32
    %add3A = arith.addi %mul3A_0, %arg0 : i32
    %sub3A = arith.constant 1250 : i32
    %sub3A_1 = arith.subi %sub3A, %add3A : i32
    %add3A_2 = arith.constant 32 : i32
    %add3A_3 = arith.addi %sub3A_1, %add3A_2 : i32
    %sub3A_4 = arith.constant 1 : i32
    %sub3A_5 = arith.subi %add3A_3, %sub3A_4 : i32
    %jit3A = arith.constant 32 : i32
    %div3A = arith.divsi %sub3A_5, %jit3A : i32
    %sign3A = arith.constant 0 : i32
    %sign3A_6 = arith.cmpi sgt, %sub3A_5, %sign3A : i32
    %sign3A_7 = arith.extui %sign3A_6 : i1 to i32
    %sign3A_8 = arith.constant 0 : i32
    %sign3A_9 = arith.cmpi slt, %sub3A_5, %sign3A_8 : i32
    %sign3A_10 = arith.extui %sign3A_9 : i1 to i32
    %sign3A_11 = arith.subi %sign3A_7, %sign3A_10 : i32
    %sign3A_12 = arith.constant 0 : i32
    %sign3A_13 = arith.cmpi sgt, %jit3A, %sign3A_12 : i32
    %sign3A_14 = arith.extui %sign3A_13 : i1 to i32
    %sign3A_15 = arith.constant 0 : i32
    %sign3A_16 = arith.cmpi slt, %jit3A, %sign3A_15 : i32
    %sign3A_17 = arith.extui %sign3A_16 : i1 to i32
    %sign3A_18 = arith.subi %sign3A_14, %sign3A_17 : i32
    %ne3A = arith.cmpi ne, %sign3A_11, %sign3A_18 : i32
    %rem3A = arith.remsi %sub3A_5, %jit3A : i32
    %ne3A_19 = arith.constant 0 : i32
    %ne3A_20 = arith.cmpi ne, %rem3A, %ne3A_19 : i32
    %and3A = arith.andi %ne3A, %ne3A_20 : i1
    %sub3A_21 = arith.constant 1 : i32
    %sub3A_22 = arith.subi %div3A, %sub3A_21 : i32
    %select_n3A = arith.select %and3A, %sub3A_22, %div3A : i32
    %mul3A_23 = arith.constant 768 : i32
    %mul3A_24 = arith.muli %add3A, %mul3A_23 : i32
    %dma_start3A = tpu.memref_slice %arg2[%mul3A_24] : memref<960000xi32, #tpu.memory_space<hbm>> -> memref<768xi32, #tpu.memory_space<hbm>>
    %dma_start3A_25 = tpu.memref_slice %arg2[%mul3A_24] : memref<960000xi32, #tpu.memory_space<hbm>> -> memref<768xi32, #tpu.memory_space<hbm>>
    tpu.enqueue_dma source(%dma_start3A_25 : memref<768xi32, #tpu.memory_space<hbm>>) target(%arg5 : memref<768xi32, #tpu.memory_space<vmem>>) target_semaphore(%arg14 : memref<!tpu.dma_semaphore, #tpu.memory_space<semaphore_mem>>)
    %eq3A = arith.constant 0 : i32
    %eq3A_26 = arith.cmpi eq, %arg1, %eq3A : i32
    %convert_element_type3A = arith.extui %eq3A_26 : i1 to i32
    %cond3A = arith.constant 0 : i32
    %cond3A_27 = arith.cmpi ne, %convert_element_type3A, %cond3A : i32
    scf.if %cond3A_27 {
      "tpu.region"() ({
        %run_scoped3A = tpu.sem_alloc : memref<!tpu.dma_semaphore, #tpu.memory_space<semaphore_mem>>
        tpu.enqueue_dma source(%arg3 : memref<224x128xf32, #tpu.memory_space<hbm>>) target(%arg13 : memref<224x128xf32, #tpu.memory_space<vmem_shared>>) target_semaphore(%run_scoped3A : memref<!tpu.dma_semaphore, #tpu.memory_space<semaphore_mem>>)
        tpu.wait_dma2 semaphore(%run_scoped3A : memref<!tpu.dma_semaphore, #tpu.memory_space<semaphore_mem>>) src(%arg3 : memref<224x128xf32, #tpu.memory_space<hbm>>) dst(%arg13 : memref<224x128xf32, #tpu.memory_space<vmem_shared>>)
        tpu.yield
      }) : () -> ()
    } else {
    }
    %barrier3A = arith.constant 0 : index
    tpu.barrier barrier_id(%barrier3A)
    %scan3A = arith.constant 0 : i32
    %scan3A_28 = arith.constant 0 : i32
    %scan3A_29 = arith.constant 20 : i32
    %scan3A_30 = arith.addi %scan3A_28, %scan3A_29 : i32
    %scan3A_31 = arith.constant 1 : i32
    scf.for %scan3A_44 = %scan3A_28 to %scan3A_30 step %scan3A_31  : i32 {
      %mul3A_45 = arith.constant 2 : i32
      %mul3A_46 = arith.muli %scan3A_44, %mul3A_45 : i32
      %add3A_47 = arith.constant 0 : i32
      %add3A_48 = arith.addi %mul3A_46, %add3A_47 : i32
      %lt3A = arith.cmpi slt, %add3A_48, %select_n3A : i32
      %convert_element_type3A_49 = arith.extui %lt3A : i1 to i32
      %cond3A_50 = arith.constant 0 : i32
      %cond3A_51 = arith.cmpi ne, %convert_element_type3A_49, %cond3A_50 : i32
      scf.if %cond3A_51 {
        %mul3A_60 = arith.constant 32 : i32
        %mul3A_61 = arith.muli %add3A_48, %mul3A_60 : i32
        %add3A_62 = arith.addi %add3A, %mul3A_61 : i32
        %mul3A_63 = arith.constant 256 : i32
        %mul3A_64 = arith.muli %add3A_62, %mul3A_63 : i32
        %dma_wait3A_65 = arith.constant 0 : i32
        %dma_wait3A_66 = tpu.memref_slice %arg2[%dma_wait3A_65] : memref<960000xi32, #tpu.memory_space<hbm>> -> memref<768xi32, #tpu.memory_space<hbm>>
        %dma_wait3A_67 = arith.constant 0 : i32
        %dma_wait3A_68 = tpu.memref_slice %arg2[%dma_wait3A_67] : memref<960000xi32, #tpu.memory_space<hbm>> -> memref<768xi32, #tpu.memory_space<hbm>>
        tpu.wait_dma2 semaphore(%arg14 : memref<!tpu.dma_semaphore, #tpu.memory_space<semaphore_mem>>) src(%dma_wait3A_68 : memref<768xi32, #tpu.memory_space<hbm>>) dst(%arg5 : memref<768xi32, #tpu.memory_space<vmem>>)
        %add3A_69 = arith.constant 1 : i32
        %add3A_70 = arith.addi %add3A_48, %add3A_69 : i32
        %lt3A_71 = arith.cmpi slt, %add3A_70, %select_n3A : i32
        %convert_element_type3A_72 = arith.extui %lt3A_71 : i1 to i32
        %cond3A_73 = arith.constant 0 : i32
        %cond3A_74 = arith.cmpi ne, %convert_element_type3A_72, %cond3A_73 : i32
        scf.if %cond3A_74 {
          %add3A_441 = arith.constant 1 : i32
          %add3A_442 = arith.addi %add3A_48, %add3A_441 : i32
          %mul3A_443 = arith.constant 32 : i32
          %mul3A_444 = arith.muli %add3A_442, %mul3A_443 : i32
          %add3A_445 = arith.addi %add3A, %mul3A_444 : i32
          %mul3A_446 = arith.constant 768 : i32
          %mul3A_447 = arith.muli %add3A_445, %mul3A_446 : i32
          %dma_start3A_448 = tpu.memref_slice %arg2[%mul3A_447] : memref<960000xi32, #tpu.memory_space<hbm>> -> memref<768xi32, #tpu.memory_space<hbm>>
          %dma_start3A_449 = tpu.memref_slice %arg2[%mul3A_447] : memref<960000xi32, #tpu.memory_space<hbm>> -> memref<768xi32, #tpu.memory_space<hbm>>
          tpu.enqueue_dma source(%dma_start3A_449 : memref<768xi32, #tpu.memory_space<hbm>>) target(%arg6 : memref<768xi32, #tpu.memory_space<vmem>>) target_semaphore(%arg15 : memref<!tpu.dma_semaphore, #tpu.memory_space<semaphore_mem>>)
        } else {
        }
        %get3A = arith.constant 0 : index
        %get3A_75 = tpu.vector_load %arg5[%get3A] {strides = array<i32>} : memref<768xi32, #tpu.memory_space<vmem>>, vector<16xi32>,
        %get3A_76 = vector.shape_cast %get3A_75 : vector<16xi32> to vector<16xi32>
        %mul3A_77 = arith.constant 32 : i32
        %mul3A_78 = vector.broadcast %mul3A_77 : i32 to vector<16xi32>
        %mul3A_79 = arith.muli %get3A_76, %mul3A_78 : vector<16xi32>
        %get3A_80 = arith.constant 256 : index
        %get3A_81 = tpu.vector_load %arg5[%get3A_80] {strides = array<i32>} : memref<768xi32, #tpu.memory_space<vmem>>, vector<16xi32>,
        %get3A_82 = vector.shape_cast %get3A_81 : vector<16xi32> to vector<16xi32>
        %mul3A_83 = arith.constant 4 : i32
        %mul3A_84 = vector.broadcast %mul3A_83 : i32 to vector<16xi32>
        %mul3A_85 = arith.muli %get3A_82, %mul3A_84 : vector<16xi32>
        %add3A_86 = arith.addi %mul3A_79, %mul3A_85 : vector<16xi32>
        %get3A_87 = arith.constant 512 : index
        %get3A_88 = tpu.vector_load %arg5[%get3A_87] {strides = array<i32>} : memref<768xi32, #tpu.memory_space<vmem>>, vector<16xi32>,
        %get3A_89 = vector.shape_cast %get3A_88 : vector<16xi32> to vector<16xi32>
        %add3A_90 = arith.addi %add3A_86, %get3A_89 : vector<16xi32>
        %swap3A = arith.constant 0 : index
        %swap3A_91 = tpu.vector_load %arg7[%swap3A] {strides = array<i32>} : memref<128xi32, #tpu.memory_space<vmem>>, vector<16xi32>,
        %swap3A_92 = vector.shape_cast %swap3A_91 : vector<16xi32> to vector<16xi32>
        %swap3A_93 = vector.shape_cast %add3A_90 : vector<16xi32> to vector<16xi32>
        tpu.vector_store %arg7[%swap3A], %swap3A_93 {strides = array<i32>} : memref<128xi32, #tpu.memory_space<vmem>>, vector<16xi32>,
        %get3A_94 = arith.constant 16 : index
        %get3A_95 = tpu.vector_load %arg5[%get3A_94] {strides = array<i32>} : memref<768xi32, #tpu.memory_space<vmem>>, vector<16xi32>,
        %get3A_96 = vector.shape_cast %get3A_95 : vector<16xi32> to vector<16xi32>
        %mul3A_97 = arith.constant 32 : i32
        %mul3A_98 = vector.broadcast %mul3A_97 : i32 to vector<16xi32>
        %mul3A_99 = arith.muli %get3A_96, %mul3A_98 : vector<16xi32>
        %get3A_100 = arith.constant 272 : index
        %get3A_101 = tpu.vector_load %arg5[%get3A_100] {strides = array<i32>} : memref<768xi32, #tpu.memory_space<vmem>>, vector<16xi32>,
        %get3A_102 = vector.shape_cast %get3A_101 : vector<16xi32> to vector<16xi32>
        %mul3A_103 = arith.constant 4 : i32
        %mul3A_104 = vector.broadcast %mul3A_103 : i32 to vector<16xi32>
        %mul3A_105 = arith.muli %get3A_102, %mul3A_104 : vector<16xi32>
        %add3A_106 = arith.addi %mul3A_99, %mul3A_105 : vector<16xi32>
        %get3A_107 = arith.constant 528 : index
        %get3A_108 = tpu.vector_load %arg5[%get3A_107] {strides = array<i32>} : memref<768xi32, #tpu.memory_space<vmem>>, vector<16xi32>,
        %get3A_109 = vector.shape_cast %get3A_108 : vector<16xi32> to vector<16xi32>
        %add3A_110 = arith.addi %add3A_106, %get3A_109 : vector<16xi32>
        %swap3A_111 = arith.constant 16 : index
        %swap3A_112 = tpu.vector_load %arg7[%swap3A_111] {strides = array<i32>} : memref<128xi32, #tpu.memory_space<vmem>>, vector<16xi32>,
        %swap3A_113 = vector.shape_cast %swap3A_112 : vector<16xi32> to vector<16xi32>
        %swap3A_114 = vector.shape_cast %add3A_110 : vector<16xi32> to vector<16xi32>
        tpu.vector_store %arg7[%swap3A_111], %swap3A_114 {strides = array<i32>} : memref<128xi32, #tpu.memory_space<vmem>>, vector<16xi32>,
        %get3A_115 = arith.constant 32 : index
        %get3A_116 = tpu.vector_load %arg5[%get3A_115] {strides = array<i32>} : memref<768xi32, #tpu.memory_space<vmem>>, vector<16xi32>,
        %get3A_117 = vector.shape_cast %get3A_116 : vector<16xi32> to vector<16xi32>
        %mul3A_118 = arith.constant 32 : i32
        %mul3A_119 = vector.broadcast %mul3A_118 : i32 to vector<16xi32>
        %mul3A_120 = arith.muli %get3A_117, %mul3A_119 : vector<16xi32>
        %get3A_121 = arith.constant 288 : index
        %get3A_122 = tpu.vector_load %arg5[%get3A_121] {strides = array<i32>} : memref<768xi32, #tpu.memory_space<vmem>>, vector<16xi32>,
        %get3A_123 = vector.shape_cast %get3A_122 : vector<16xi32> to vector<16xi32>
        %mul3A_124 = arith.constant 4 : i32
        %mul3A_125 = vector.broadcast %mul3A_124 : i32 to vector<16xi32>
        %mul3A_126 = arith.muli %get3A_123, %mul3A_125 : vector<16xi32>
        %add3A_127 = arith.addi %mul3A_120, %mul3A_126 : vector<16xi32>
        %get3A_128 = arith.constant 544 : index
        %get3A_129 = tpu.vector_load %arg5[%get3A_128] {strides = array<i32>} : memref<768xi32, #tpu.memory_space<vmem>>, vector<16xi32>,
        %get3A_130 = vector.shape_cast %get3A_129 : vector<16xi32> to vector<16xi32>
        %add3A_131 = arith.addi %add3A_127, %get3A_130 : vector<16xi32>
        %swap3A_132 = arith.constant 32 : index
        %swap3A_133 = tpu.vector_load %arg7[%swap3A_132] {strides = array<i32>} : memref<128xi32, #tpu.memory_space<vmem>>, vector<16xi32>,
        %swap3A_134 = vector.shape_cast %swap3A_133 : vector<16xi32> to vector<16xi32>
        %swap3A_135 = vector.shape_cast %add3A_131 : vector<16xi32> to vector<16xi32>
        tpu.vector_store %arg7[%swap3A_132], %swap3A_135 {strides = array<i32>} : memref<128xi32, #tpu.memory_space<vmem>>, vector<16xi32>,
        %get3A_136 = arith.constant 48 : index
        %get3A_137 = tpu.vector_load %arg5[%get3A_136] {strides = array<i32>} : memref<768xi32, #tpu.memory_space<vmem>>, vector<16xi32>,
        %get3A_138 = vector.shape_cast %get3A_137 : vector<16xi32> to vector<16xi32>
        %mul3A_139 = arith.constant 32 : i32
        %mul3A_140 = vector.broadcast %mul3A_139 : i32 to vector<16xi32>
        %mul3A_141 = arith.muli %get3A_138, %mul3A_140 : vector<16xi32>
        %get3A_142 = arith.constant 304 : index
        %get3A_143 = tpu.vector_load %arg5[%get3A_142] {strides = array<i32>} : memref<768xi32, #tpu.memory_space<vmem>>, vector<16xi32>,
        %get3A_144 = vector.shape_cast %get3A_143 : vector<16xi32> to vector<16xi32>
        %mul3A_145 = arith.constant 4 : i32
        %mul3A_146 = vector.broadcast %mul3A_145 : i32 to vector<16xi32>
        %mul3A_147 = arith.muli %get3A_144, %mul3A_146 : vector<16xi32>
        %add3A_148 = arith.addi %mul3A_141, %mul3A_147 : vector<16xi32>
        %get3A_149 = arith.constant 560 : index
        %get3A_150 = tpu.vector_load %arg5[%get3A_149] {strides = array<i32>} : memref<768xi32, #tpu.memory_space<vmem>>, vector<16xi32>,
        %get3A_151 = vector.shape_cast %get3A_150 : vector<16xi32> to vector<16xi32>
        %add3A_152 = arith.addi %add3A_148, %get3A_151 : vector<16xi32>
        %swap3A_153 = arith.constant 48 : index
        %swap3A_154 = tpu.vector_load %arg7[%swap3A_153] {strides = array<i32>} : memref<128xi32, #tpu.memory_space<vmem>>, vector<16xi32>,
        %swap3A_155 = vector.shape_cast %swap3A_154 : vector<16xi32> to vector<16xi32>
        %swap3A_156 = vector.shape_cast %add3A_152 : vector<16xi32> to vector<16xi32>
        tpu.vector_store %arg7[%swap3A_153], %swap3A_156 {strides = array<i32>} : memref<128xi32, #tpu.memory_space<vmem>>, vector<16xi32>,
        %get3A_157 = arith.constant 64 : index
        %get3A_158 = tpu.vector_load %arg5[%get3A_157] {strides = array<i32>} : memref<768xi32, #tpu.memory_space<vmem>>, vector<16xi32>,
        %get3A_159 = vector.shape_cast %get3A_158 : vector<16xi32> to vector<16xi32>
        %mul3A_160 = arith.constant 32 : i32
        %mul3A_161 = vector.broadcast %mul3A_160 : i32 to vector<16xi32>
        %mul3A_162 = arith.muli %get3A_159, %mul3A_161 : vector<16xi32>
        %get3A_163 = arith.constant 320 : index
        %get3A_164 = tpu.vector_load %arg5[%get3A_163] {strides = array<i32>} : memref<768xi32, #tpu.memory_space<vmem>>, vector<16xi32>,
        %get3A_165 = vector.shape_cast %get3A_164 : vector<16xi32> to vector<16xi32>
        %mul3A_166 = arith.constant 4 : i32
        %mul3A_167 = vector.broadcast %mul3A_166 : i32 to vector<16xi32>
        %mul3A_168 = arith.muli %get3A_165, %mul3A_167 : vector<16xi32>
        %add3A_169 = arith.addi %mul3A_162, %mul3A_168 : vector<16xi32>
        %get3A_170 = arith.constant 576 : index
        %get3A_171 = tpu.vector_load %arg5[%get3A_170] {strides = array<i32>} : memref<768xi32, #tpu.memory_space<vmem>>, vector<16xi32>,
        %get3A_172 = vector.shape_cast %get3A_171 : vector<16xi32> to vector<16xi32>
        %add3A_173 = arith.addi %add3A_169, %get3A_172 : vector<16xi32>
        %swap3A_174 = arith.constant 64 : index
        %swap3A_175 = tpu.vector_load %arg7[%swap3A_174] {strides = array<i32>} : memref<128xi32, #tpu.memory_space<vmem>>, vector<16xi32>,
        %swap3A_176 = vector.shape_cast %swap3A_175 : vector<16xi32> to vector<16xi32>
        %swap3A_177 = vector.shape_cast %add3A_173 : vector<16xi32> to vector<16xi32>
        tpu.vector_store %arg7[%swap3A_174], %swap3A_177 {strides = array<i32>} : memref<128xi32, #tpu.memory_space<vmem>>, vector<16xi32>,
        %get3A_178 = arith.constant 80 : index
        %get3A_179 = tpu.vector_load %arg5[%get3A_178] {strides = array<i32>} : memref<768xi32, #tpu.memory_space<vmem>>, vector<16xi32>,
        %get3A_180 = vector.shape_cast %get3A_179 : vector<16xi32> to vector<16xi32>
        %mul3A_181 = arith.constant 32 : i32
        %mul3A_182 = vector.broadcast %mul3A_181 : i32 to vector<16xi32>
        %mul3A_183 = arith.muli %get3A_180, %mul3A_182 : vector<16xi32>
        %get3A_184 = arith.constant 336 : index
        %get3A_185 = tpu.vector_load %arg5[%get3A_184] {strides = array<i32>} : memref<768xi32, #tpu.memory_space<vmem>>, vector<16xi32>,
        %get3A_186 = vector.shape_cast %get3A_185 : vector<16xi32> to vector<16xi32>
        %mul3A_187 = arith.constant 4 : i32
        %mul3A_188 = vector.broadcast %mul3A_187 : i32 to vector<16xi32>
        %mul3A_189 = arith.muli %get3A_186, %mul3A_188 : vector<16xi32>
        %add3A_190 = arith.addi %mul3A_183, %mul3A_189 : vector<16xi32>
        %get3A_191 = arith.constant 592 : index
        %get3A_192 = tpu.vector_load %arg5[%get3A_191] {strides = array<i32>} : memref<768xi32, #tpu.memory_space<vmem>>, vector<16xi32>,
        %get3A_193 = vector.shape_cast %get3A_192 : vector<16xi32> to vector<16xi32>
        %add3A_194 = arith.addi %add3A_190, %get3A_193 : vector<16xi32>
        %swap3A_195 = arith.constant 80 : index
        %swap3A_196 = tpu.vector_load %arg7[%swap3A_195] {strides = array<i32>} : memref<128xi32, #tpu.memory_space<vmem>>, vector<16xi32>,
        %swap3A_197 = vector.shape_cast %swap3A_196 : vector<16xi32> to vector<16xi32>
        %swap3A_198 = vector.shape_cast %add3A_194 : vector<16xi32> to vector<16xi32>
        tpu.vector_store %arg7[%swap3A_195], %swap3A_198 {strides = array<i32>} : memref<128xi32, #tpu.memory_space<vmem>>, vector<16xi32>,
        %get3A_199 = arith.constant 96 : index
        %get3A_200 = tpu.vector_load %arg5[%get3A_199] {strides = array<i32>} : memref<768xi32, #tpu.memory_space<vmem>>, vector<16xi32>,
        %get3A_201 = vector.shape_cast %get3A_200 : vector<16xi32> to vector<16xi32>
        %mul3A_202 = arith.constant 32 : i32
        %mul3A_203 = vector.broadcast %mul3A_202 : i32 to vector<16xi32>
        %mul3A_204 = arith.muli %get3A_201, %mul3A_203 : vector<16xi32>
        %get3A_205 = arith.constant 352 : index
        %get3A_206 = tpu.vector_load %arg5[%get3A_205] {strides = array<i32>} : memref<768xi32, #tpu.memory_space<vmem>>, vector<16xi32>,
        %get3A_207 = vector.shape_cast %get3A_206 : vector<16xi32> to vector<16xi32>
        %mul3A_208 = arith.constant 4 : i32
        %mul3A_209 = vector.broadcast %mul3A_208 : i32 to vector<16xi32>
        %mul3A_210 = arith.muli %get3A_207, %mul3A_209 : vector<16xi32>
        %add3A_211 = arith.addi %mul3A_204, %mul3A_210 : vector<16xi32>
        %get3A_212 = arith.constant 608 : index
        %get3A_213 = tpu.vector_load %arg5[%get3A_212] {strides = array<i32>} : memref<768xi32, #tpu.memory_space<vmem>>, vector<16xi32>,
        %get3A_214 = vector.shape_cast %get3A_213 : vector<16xi32> to vector<16xi32>
        %add3A_215 = arith.addi %add3A_211, %get3A_214 : vector<16xi32>
        %swap3A_216 = arith.constant 96 : index
        %swap3A_217 = tpu.vector_load %arg7[%swap3A_216] {strides = array<i32>} : memref<128xi32, #tpu.memory_space<vmem>>, vector<16xi32>,
        %swap3A_218 = vector.shape_cast %swap3A_217 : vector<16xi32> to vector<16xi32>
        %swap3A_219 = vector.shape_cast %add3A_215 : vector<16xi32> to vector<16xi32>
        tpu.vector_store %arg7[%swap3A_216], %swap3A_219 {strides = array<i32>} : memref<128xi32, #tpu.memory_space<vmem>>, vector<16xi32>,
        %get3A_220 = arith.constant 112 : index
        %get3A_221 = tpu.vector_load %arg5[%get3A_220] {strides = array<i32>} : memref<768xi32, #tpu.memory_space<vmem>>, vector<16xi32>,
        %get3A_222 = vector.shape_cast %get3A_221 : vector<16xi32> to vector<16xi32>
        %mul3A_223 = arith.constant 32 : i32
        %mul3A_224 = vector.broadcast %mul3A_223 : i32 to vector<16xi32>
        %mul3A_225 = arith.muli %get3A_222, %mul3A_224 : vector<16xi32>
        %get3A_226 = arith.constant 368 : index
        %get3A_227 = tpu.vector_load %arg5[%get3A_226] {strides = array<i32>} : memref<768xi32, #tpu.memory_space<vmem>>, vector<16xi32>,
        %get3A_228 = vector.shape_cast %get3A_227 : vector<16xi32> to vector<16xi32>
        %mul3A_229 = arith.constant 4 : i32
        %mul3A_230 = vector.broadcast %mul3A_229 : i32 to vector<16xi32>
        %mul3A_231 = arith.muli %get3A_228, %mul3A_230 : vector<16xi32>
        %add3A_232 = arith.addi %mul3A_225, %mul3A_231 : vector<16xi32>
        %get3A_233 = arith.constant 624 : index
        %get3A_234 = tpu.vector_load %arg5[%get3A_233] {strides = array<i32>} : memref<768xi32, #tpu.memory_space<vmem>>, vector<16xi32>,
        %get3A_235 = vector.shape_cast %get3A_234 : vector<16xi32> to vector<16xi32>
        %add3A_236 = arith.addi %add3A_232, %get3A_235 : vector<16xi32>
        %swap3A_237 = arith.constant 112 : index
        %swap3A_238 = tpu.vector_load %arg7[%swap3A_237] {strides = array<i32>} : memref<128xi32, #tpu.memory_space<vmem>>, vector<16xi32>,
        %swap3A_239 = vector.shape_cast %swap3A_238 : vector<16xi32> to vector<16xi32>
        %swap3A_240 = vector.shape_cast %add3A_236 : vector<16xi32> to vector<16xi32>
        tpu.vector_store %arg7[%swap3A_237], %swap3A_240 {strides = array<i32>} : memref<128xi32, #tpu.memory_space<vmem>>, vector<16xi32>,
        %get3A_241 = arith.constant 128 : index
        %get3A_242 = tpu.vector_load %arg5[%get3A_241] {strides = array<i32>} : memref<768xi32, #tpu.memory_space<vmem>>, vector<16xi32>,
        %get3A_243 = vector.shape_cast %get3A_242 : vector<16xi32> to vector<16xi32>
        %mul3A_244 = arith.constant 32 : i32
        %mul3A_245 = vector.broadcast %mul3A_244 : i32 to vector<16xi32>
        %mul3A_246 = arith.muli %get3A_243, %mul3A_245 : vector<16xi32>
        %get3A_247 = arith.constant 384 : index
        %get3A_248 = tpu.vector_load %arg5[%get3A_247] {strides = array<i32>} : memref<768xi32, #tpu.memory_space<vmem>>, vector<16xi32>,
        %get3A_249 = vector.shape_cast %get3A_248 : vector<16xi32> to vector<16xi32>
        %mul3A_250 = arith.constant 4 : i32
        %mul3A_251 = vector.broadcast %mul3A_250 : i32 to vector<16xi32>
        %mul3A_252 = arith.muli %get3A_249, %mul3A_251 : vector<16xi32>
        %add3A_253 = arith.addi %mul3A_246, %mul3A_252 : vector<16xi32>
        %get3A_254 = arith.constant 640 : index
        %get3A_255 = tpu.vector_load %arg5[%get3A_254] {strides = array<i32>} : memref<768xi32, #tpu.memory_space<vmem>>, vector<16xi32>,
        %get3A_256 = vector.shape_cast %get3A_255 : vector<16xi32> to vector<16xi32>
        %add3A_257 = arith.addi %add3A_253, %get3A_256 : vector<16xi32>
        %swap3A_258 = arith.constant 0 : index
        %swap3A_259 = tpu.vector_load %arg8[%swap3A_258] {strides = array<i32>} : memref<128xi32, #tpu.memory_space<vmem>>, vector<16xi32>,
        %swap3A_260 = vector.shape_cast %swap3A_259 : vector<16xi32> to vector<16xi32>
        %swap3A_261 = vector.shape_cast %add3A_257 : vector<16xi32> to vector<16xi32>
        tpu.vector_store %arg8[%swap3A_258], %swap3A_261 {strides = array<i32>} : memref<128xi32, #tpu.memory_space<vmem>>, vector<16xi32>,
        %get3A_262 = arith.constant 144 : index
        %get3A_263 = tpu.vector_load %arg5[%get3A_262] {strides = array<i32>} : memref<768xi32, #tpu.memory_space<vmem>>, vector<16xi32>,
        %get3A_264 = vector.shape_cast %get3A_263 : vector<16xi32> to vector<16xi32>
        %mul3A_265 = arith.constant 32 : i32
        %mul3A_266 = vector.broadcast %mul3A_265 : i32 to vector<16xi32>
        %mul3A_267 = arith.muli %get3A_264, %mul3A_266 : vector<16xi32>
        %get3A_268 = arith.constant 400 : index
        %get3A_269 = tpu.vector_load %arg5[%get3A_268] {strides = array<i32>} : memref<768xi32, #tpu.memory_space<vmem>>, vector<16xi32>,
        %get3A_270 = vector.shape_cast %get3A_269 : vector<16xi32> to vector<16xi32>
        %mul3A_271 = arith.constant 4 : i32
        %mul3A_272 = vector.broadcast %mul3A_271 : i32 to vector<16xi32>
        %mul3A_273 = arith.muli %get3A_270, %mul3A_272 : vector<16xi32>
        %add3A_274 = arith.addi %mul3A_267, %mul3A_273 : vector<16xi32>
        %get3A_275 = arith.constant 656 : index
        %get3A_276 = tpu.vector_load %arg5[%get3A_275] {strides = array<i32>} : memref<768xi32, #tpu.memory_space<vmem>>, vector<16xi32>,
        %get3A_277 = vector.shape_cast %get3A_276 : vector<16xi32> to vector<16xi32>
        %add3A_278 = arith.addi %add3A_274, %get3A_277 : vector<16xi32>
        %swap3A_279 = arith.constant 16 : index
        %swap3A_280 = tpu.vector_load %arg8[%swap3A_279] {strides = array<i32>} : memref<128xi32, #tpu.memory_space<vmem>>, vector<16xi32>,
        %swap3A_281 = vector.shape_cast %swap3A_280 : vector<16xi32> to vector<16xi32>
        %swap3A_282 = vector.shape_cast %add3A_278 : vector<16xi32> to vector<16xi32>
        tpu.vector_store %arg8[%swap3A_279], %swap3A_282 {strides = array<i32>} : memref<128xi32, #tpu.memory_space<vmem>>, vector<16xi32>,
        %get3A_283 = arith.constant 160 : index
        %get3A_284 = tpu.vector_load %arg5[%get3A_283] {strides = array<i32>} : memref<768xi32, #tpu.memory_space<vmem>>, vector<16xi32>,
        %get3A_285 = vector.shape_cast %get3A_284 : vector<16xi32> to vector<16xi32>
        %mul3A_286 = arith.constant 32 : i32
        %mul3A_287 = vector.broadcast %mul3A_286 : i32 to vector<16xi32>
        %mul3A_288 = arith.muli %get3A_285, %mul3A_287 : vector<16xi32>
        %get3A_289 = arith.constant 416 : index
        %get3A_290 = tpu.vector_load %arg5[%get3A_289] {strides = array<i32>} : memref<768xi32, #tpu.memory_space<vmem>>, vector<16xi32>,
        %get3A_291 = vector.shape_cast %get3A_290 : vector<16xi32> to vector<16xi32>
        %mul3A_292 = arith.constant 4 : i32
        %mul3A_293 = vector.broadcast %mul3A_292 : i32 to vector<16xi32>
        %mul3A_294 = arith.muli %get3A_291, %mul3A_293 : vector<16xi32>
        %add3A_295 = arith.addi %mul3A_288, %mul3A_294 : vector<16xi32>
        %get3A_296 = arith.constant 672 : index
        %get3A_297 = tpu.vector_load %arg5[%get3A_296] {strides = array<i32>} : memref<768xi32, #tpu.memory_space<vmem>>, vector<16xi32>,
        %get3A_298 = vector.shape_cast %get3A_297 : vector<16xi32> to vector<16xi32>
        %add3A_299 = arith.addi %add3A_295, %get3A_298 : vector<16xi32>
        %swap3A_300 = arith.constant 32 : index
        %swap3A_301 = tpu.vector_load %arg8[%swap3A_300] {strides = array<i32>} : memref<128xi32, #tpu.memory_space<vmem>>, vector<16xi32>,
        %swap3A_302 = vector.shape_cast %swap3A_301 : vector<16xi32> to vector<16xi32>
        %swap3A_303 = vector.shape_cast %add3A_299 : vector<16xi32> to vector<16xi32>
        tpu.vector_store %arg8[%swap3A_300], %swap3A_303 {strides = array<i32>} : memref<128xi32, #tpu.memory_space<vmem>>, vector<16xi32>,
        %get3A_304 = arith.constant 176 : index
        %get3A_305 = tpu.vector_load %arg5[%get3A_304] {strides = array<i32>} : memref<768xi32, #tpu.memory_space<vmem>>, vector<16xi32>,
        %get3A_306 = vector.shape_cast %get3A_305 : vector<16xi32> to vector<16xi32>
        %mul3A_307 = arith.constant 32 : i32
        %mul3A_308 = vector.broadcast %mul3A_307 : i32 to vector<16xi32>
        %mul3A_309 = arith.muli %get3A_306, %mul3A_308 : vector<16xi32>
        %get3A_310 = arith.constant 432 : index
        %get3A_311 = tpu.vector_load %arg5[%get3A_310] {strides = array<i32>} : memref<768xi32, #tpu.memory_space<vmem>>, vector<16xi32>,
        %get3A_312 = vector.shape_cast %get3A_311 : vector<16xi32> to vector<16xi32>
        %mul3A_313 = arith.constant 4 : i32
        %mul3A_314 = vector.broadcast %mul3A_313 : i32 to vector<16xi32>
        %mul3A_315 = arith.muli %get3A_312, %mul3A_314 : vector<16xi32>
        %add3A_316 = arith.addi %mul3A_309, %mul3A_315 : vector<16xi32>
        %get3A_317 = arith.constant 688 : index
        %get3A_318 = tpu.vector_load %arg5[%get3A_317] {strides = array<i32>} : memref<768xi32, #tpu.memory_space<vmem>>, vector<16xi32>,
        %get3A_319 = vector.shape_cast %get3A_318 : vector<16xi32> to vector<16xi32>
        %add3A_320 = arith.addi %add3A_316, %get3A_319 : vector<16xi32>
        %swap3A_321 = arith.constant 48 : index
        %swap3A_322 = tpu.vector_load %arg8[%swap3A_321] {strides = array<i32>} : memref<128xi32, #tpu.memory_space<vmem>>, vector<16xi32>,
        %swap3A_323 = vector.shape_cast %swap3A_322 : vector<16xi32> to vector<16xi32>
        %swap3A_324 = vector.shape_cast %add3A_320 : vector<16xi32> to vector<16xi32>
        tpu.vector_store %arg8[%swap3A_321], %swap3A_324 {strides = array<i32>} : memref<128xi32, #tpu.memory_space<vmem>>, vector<16xi32>,
        %get3A_325 = arith.constant 192 : index
        %get3A_326 = tpu.vector_load %arg5[%get3A_325] {strides = array<i32>} : memref<768xi32, #tpu.memory_space<vmem>>, vector<16xi32>,
        %get3A_327 = vector.shape_cast %get3A_326 : vector<16xi32> to vector<16xi32>
        %mul3A_328 = arith.constant 32 : i32
        %mul3A_329 = vector.broadcast %mul3A_328 : i32 to vector<16xi32>
        %mul3A_330 = arith.muli %get3A_327, %mul3A_329 : vector<16xi32>
        %get3A_331 = arith.constant 448 : index
        %get3A_332 = tpu.vector_load %arg5[%get3A_331] {strides = array<i32>} : memref<768xi32, #tpu.memory_space<vmem>>, vector<16xi32>,
        %get3A_333 = vector.shape_cast %get3A_332 : vector<16xi32> to vector<16xi32>
        %mul3A_334 = arith.constant 4 : i32
        %mul3A_335 = vector.broadcast %mul3A_334 : i32 to vector<16xi32>
        %mul3A_336 = arith.muli %get3A_333, %mul3A_335 : vector<16xi32>
        %add3A_337 = arith.addi %mul3A_330, %mul3A_336 : vector<16xi32>
        %get3A_338 = arith.constant 704 : index
        %get3A_339 = tpu.vector_load %arg5[%get3A_338] {strides = array<i32>} : memref<768xi32, #tpu.memory_space<vmem>>, vector<16xi32>,
        %get3A_340 = vector.shape_cast %get3A_339 : vector<16xi32> to vector<16xi32>
        %add3A_341 = arith.addi %add3A_337, %get3A_340 : vector<16xi32>
        %swap3A_342 = arith.constant 64 : index
        %swap3A_343 = tpu.vector_load %arg8[%swap3A_342] {strides = array<i32>} : memref<128xi32, #tpu.memory_space<vmem>>, vector<16xi32>,
        %swap3A_344 = vector.shape_cast %swap3A_343 : vector<16xi32> to vector<16xi32>
        %swap3A_345 = vector.shape_cast %add3A_341 : vector<16xi32> to vector<16xi32>
        tpu.vector_store %arg8[%swap3A_342], %swap3A_345 {strides = array<i32>} : memref<128xi32, #tpu.memory_space<vmem>>, vector<16xi32>,
        %get3A_346 = arith.constant 208 : index
        %get3A_347 = tpu.vector_load %arg5[%get3A_346] {strides = array<i32>} : memref<768xi32, #tpu.memory_space<vmem>>, vector<16xi32>,
        %get3A_348 = vector.shape_cast %get3A_347 : vector<16xi32> to vector<16xi32>
        %mul3A_349 = arith.constant 32 : i32
        %mul3A_350 = vector.broadcast %mul3A_349 : i32 to vector<16xi32>
        %mul3A_351 = arith.muli %get3A_348, %mul3A_350 : vector<16xi32>
        %get3A_352 = arith.constant 464 : index
        %get3A_353 = tpu.vector_load %arg5[%get3A_352] {strides = array<i32>} : memref<768xi32, #tpu.memory_space<vmem>>, vector<16xi32>,
        %get3A_354 = vector.shape_cast %get3A_353 : vector<16xi32> to vector<16xi32>
        %mul3A_355 = arith.constant 4 : i32
        %mul3A_356 = vector.broadcast %mul3A_355 : i32 to vector<16xi32>
        %mul3A_357 = arith.muli %get3A_354, %mul3A_356 : vector<16xi32>
        %add3A_358 = arith.addi %mul3A_351, %mul3A_357 : vector<16xi32>
        %get3A_359 = arith.constant 720 : index
        %get3A_360 = tpu.vector_load %arg5[%get3A_359] {strides = array<i32>} : memref<768xi32, #tpu.memory_space<vmem>>, vector<16xi32>,
        %get3A_361 = vector.shape_cast %get3A_360 : vector<16xi32> to vector<16xi32>
        %add3A_362 = arith.addi %add3A_358, %get3A_361 : vector<16xi32>
        %swap3A_363 = arith.constant 80 : index
        %swap3A_364 = tpu.vector_load %arg8[%swap3A_363] {strides = array<i32>} : memref<128xi32, #tpu.memory_space<vmem>>, vector<16xi32>,
        %swap3A_365 = vector.shape_cast %swap3A_364 : vector<16xi32> to vector<16xi32>
        %swap3A_366 = vector.shape_cast %add3A_362 : vector<16xi32> to vector<16xi32>
        tpu.vector_store %arg8[%swap3A_363], %swap3A_366 {strides = array<i32>} : memref<128xi32, #tpu.memory_space<vmem>>, vector<16xi32>,
        %get3A_367 = arith.constant 224 : index
        %get3A_368 = tpu.vector_load %arg5[%get3A_367] {strides = array<i32>} : memref<768xi32, #tpu.memory_space<vmem>>, vector<16xi32>,
        %get3A_369 = vector.shape_cast %get3A_368 : vector<16xi32> to vector<16xi32>
        %mul3A_370 = arith.constant 32 : i32
        %mul3A_371 = vector.broadcast %mul3A_370 : i32 to vector<16xi32>
        %mul3A_372 = arith.muli %get3A_369, %mul3A_371 : vector<16xi32>
        %get3A_373 = arith.constant 480 : index
        %get3A_374 = tpu.vector_load %arg5[%get3A_373] {strides = array<i32>} : memref<768xi32, #tpu.memory_space<vmem>>, vector<16xi32>,
        %get3A_375 = vector.shape_cast %get3A_374 : vector<16xi32> to vector<16xi32>
        %mul3A_376 = arith.constant 4 : i32
        %mul3A_377 = vector.broadcast %mul3A_376 : i32 to vector<16xi32>
        %mul3A_378 = arith.muli %get3A_375, %mul3A_377 : vector<16xi32>
        %add3A_379 = arith.addi %mul3A_372, %mul3A_378 : vector<16xi32>
        %get3A_380 = arith.constant 736 : index
        %get3A_381 = tpu.vector_load %arg5[%get3A_380] {strides = array<i32>} : memref<768xi32, #tpu.memory_space<vmem>>, vector<16xi32>,
        %get3A_382 = vector.shape_cast %get3A_381 : vector<16xi32> to vector<16xi32>
        %add3A_383 = arith.addi %add3A_379, %get3A_382 : vector<16xi32>
        %swap3A_384 = arith.constant 96 : index
        %swap3A_385 = tpu.vector_load %arg8[%swap3A_384] {strides = array<i32>} : memref<128xi32, #tpu.memory_space<vmem>>, vector<16xi32>,
        %swap3A_386 = vector.shape_cast %swap3A_385 : vector<16xi32> to vector<16xi32>
        %swap3A_387 = vector.shape_cast %add3A_383 : vector<16xi32> to vector<16xi32>
        tpu.vector_store %arg8[%swap3A_384], %swap3A_387 {strides = array<i32>} : memref<128xi32, #tpu.memory_space<vmem>>, vector<16xi32>,
        %get3A_388 = arith.constant 240 : index
        %get3A_389 = tpu.vector_load %arg5[%get3A_388] {strides = array<i32>} : memref<768xi32, #tpu.memory_space<vmem>>, vector<16xi32>,
        %get3A_390 = vector.shape_cast %get3A_389 : vector<16xi32> to vector<16xi32>
        %mul3A_391 = arith.constant 32 : i32
        %mul3A_392 = vector.broadcast %mul3A_391 : i32 to vector<16xi32>
        %mul3A_393 = arith.muli %get3A_390, %mul3A_392 : vector<16xi32>
        %get3A_394 = arith.constant 496 : index
        %get3A_395 = tpu.vector_load %arg5[%get3A_394] {strides = array<i32>} : memref<768xi32, #tpu.memory_space<vmem>>, vector<16xi32>,
        %get3A_396 = vector.shape_cast %get3A_395 : vector<16xi32> to vector<16xi32>
        %mul3A_397 = arith.constant 4 : i32
        %mul3A_398 = vector.broadcast %mul3A_397 : i32 to vector<16xi32>
        %mul3A_399 = arith.muli %get3A_396, %mul3A_398 : vector<16xi32>
        %add3A_400 = arith.addi %mul3A_393, %mul3A_399 : vector<16xi32>
        %get3A_401 = arith.constant 752 : index
        %get3A_402 = tpu.vector_load %arg5[%get3A_401] {strides = array<i32>} : memref<768xi32, #tpu.memory_space<vmem>>, vector<16xi32>,
        %get3A_403 = vector.shape_cast %get3A_402 : vector<16xi32> to vector<16xi32>
        %add3A_404 = arith.addi %add3A_400, %get3A_403 : vector<16xi32>
        %swap3A_405 = arith.constant 112 : index
        %swap3A_406 = tpu.vector_load %arg8[%swap3A_405] {strides = array<i32>} : memref<128xi32, #tpu.memory_space<vmem>>, vector<16xi32>,
        %swap3A_407 = vector.shape_cast %swap3A_406 : vector<16xi32> to vector<16xi32>
        %swap3A_408 = vector.shape_cast %add3A_404 : vector<16xi32> to vector<16xi32>
        tpu.vector_store %arg8[%swap3A_405], %swap3A_408 {strides = array<i32>} : memref<128xi32, #tpu.memory_space<vmem>>, vector<16xi32>,
        %ge3A = arith.constant 2 : i32
        %ge3A_409 = arith.cmpi sge, %add3A_48, %ge3A : i32
        %convert_element_type3A_410 = arith.extui %ge3A_409 : i1 to i32
        %cond3A_411 = arith.constant 0 : i32
        %cond3A_412 = arith.cmpi ne, %convert_element_type3A_410, %cond3A_411 : i32
        scf.if %cond3A_412 {
          %dma_wait3A_441 = arith.constant 0 : i32
          %dma_wait3A_442 = arith.constant 0 : i32
          %dma_wait3A_443 = tpu.memref_slice %arg4[%dma_wait3A_441, %dma_wait3A_442] : memref<320000x128xf32, #tpu.memory_space<hbm>> -> memref<256x128xf32, #tpu.memory_space<hbm>>
          %dma_wait3A_444 = arith.constant 0 : i32
          %dma_wait3A_445 = arith.constant 0 : i32
          %dma_wait3A_446 = tpu.memref_slice %arg4[%dma_wait3A_444, %dma_wait3A_445] : memref<320000x128xf32, #tpu.memory_space<hbm>> -> memref<256x128xf32, #tpu.memory_space<hbm>>
          tpu.wait_dma2 semaphore(%arg16 : memref<!tpu.dma_semaphore, #tpu.memory_space<semaphore_mem>>) src(%arg11 : memref<256x128xf32, #tpu.memory_space<vmem>>) dst(%dma_wait3A_446 : memref<256x128xf32, #tpu.memory_space<hbm>>)
        } else {
        }
        %dma_start3A_413 = arith.constant 0 : i32
        %dma_start3A_414 = arith.constant 0 : i32
        %dma_start3A_415 = tpu.memref_slice %arg11[%dma_start3A_413, %dma_start3A_414] : memref<256x128xf32, #tpu.memory_space<vmem>> -> memref<128x128xf32, #tpu.memory_space<vmem>>
        %dma_start3A_416 = arith.constant 0 : i32
        %dma_start3A_417 = arith.constant 0 : i32
        %dma_start3A_418 = tpu.memref_slice %arg13[%dma_start3A_416, %dma_start3A_417] : memref<224x128xf32, #tpu.memory_space<vmem_shared>> -> memref<224x128xf32, #tpu.memory_space<vmem_shared>>
        tpu.enqueue_indirect_dma source(%dma_start3A_418 : memref<224x128xf32, #tpu.memory_space<vmem_shared>>) target(%dma_start3A_415 : memref<128x128xf32, #tpu.memory_space<vmem>>) offsets(%arg7 : memref<128xi32, #tpu.memory_space<vmem>>) semaphore(%arg18 : memref<!tpu.dma_semaphore, #tpu.memory_space<semaphore_mem>>)
        %dma_start3A_419 = arith.constant 128 : i32
        %dma_start3A_420 = arith.constant 0 : i32
        %dma_start3A_421 = tpu.memref_slice %arg11[%dma_start3A_419, %dma_start3A_420] : memref<256x128xf32, #tpu.memory_space<vmem>> -> memref<128x128xf32, #tpu.memory_space<vmem>>
        %dma_start3A_422 = arith.constant 0 : i32
        %dma_start3A_423 = arith.constant 0 : i32
        %dma_start3A_424 = tpu.memref_slice %arg13[%dma_start3A_422, %dma_start3A_423] : memref<224x128xf32, #tpu.memory_space<vmem_shared>> -> memref<224x128xf32, #tpu.memory_space<vmem_shared>>
        tpu.enqueue_indirect_dma source(%dma_start3A_424 : memref<224x128xf32, #tpu.memory_space<vmem_shared>>) target(%dma_start3A_421 : memref<128x128xf32, #tpu.memory_space<vmem>>) offsets(%arg8 : memref<128xi32, #tpu.memory_space<vmem>>) semaphore(%arg18 : memref<!tpu.dma_semaphore, #tpu.memory_space<semaphore_mem>>)
        %dma_wait3A_425 = arith.constant 0 : i32
        %dma_wait3A_426 = arith.constant 0 : i32
        %dma_wait3A_427 = tpu.memref_slice %arg11[%dma_wait3A_425, %dma_wait3A_426] : memref<256x128xf32, #tpu.memory_space<vmem>> -> memref<128x128xf32, #tpu.memory_space<vmem>>
        %dma_wait3A_428 = arith.constant 0 : i32
        %dma_wait3A_429 = arith.constant 0 : i32
        %dma_wait3A_430 = tpu.memref_slice %arg13[%dma_wait3A_428, %dma_wait3A_429] : memref<224x128xf32, #tpu.memory_space<vmem_shared>> -> memref<224x128xf32, #tpu.memory_space<vmem_shared>>
        tpu.wait_indirect_dma semaphore(%arg18 : memref<!tpu.dma_semaphore, #tpu.memory_space<semaphore_mem>>) src(%dma_wait3A_430 : memref<224x128xf32, #tpu.memory_space<vmem_shared>>) dst(%dma_wait3A_427 : memref<128x128xf32, #tpu.memory_space<vmem>>)
        %dma_wait3A_431 = arith.constant 128 : i32
        %dma_wait3A_432 = arith.constant 0 : i32
        %dma_wait3A_433 = tpu.memref_slice %arg11[%dma_wait3A_431, %dma_wait3A_432] : memref<256x128xf32, #tpu.memory_space<vmem>> -> memref<128x128xf32, #tpu.memory_space<vmem>>
        %dma_wait3A_434 = arith.constant 0 : i32
        %dma_wait3A_435 = arith.constant 0 : i32
        %dma_wait3A_436 = tpu.memref_slice %arg13[%dma_wait3A_434, %dma_wait3A_435] : memref<224x128xf32, #tpu.memory_space<vmem_shared>> -> memref<224x128xf32, #tpu.memory_space<vmem_shared>>
        tpu.wait_indirect_dma semaphore(%arg18 : memref<!tpu.dma_semaphore, #tpu.memory_space<semaphore_mem>>) src(%dma_wait3A_436 : memref<224x128xf32, #tpu.memory_space<vmem_shared>>) dst(%dma_wait3A_433 : memref<128x128xf32, #tpu.memory_space<vmem>>)
        %dma_start3A_437 = arith.constant 0 : i32
        %dma_start3A_438 = tpu.memref_slice %arg4[%mul3A_64, %dma_start3A_437] : memref<320000x128xf32, #tpu.memory_space<hbm>> -> memref<256x128xf32, #tpu.memory_space<hbm>>
        %dma_start3A_439 = arith.constant 0 : i32
        %dma_start3A_440 = tpu.memref_slice %arg4[%mul3A_64, %dma_start3A_439] : memref<320000x128xf32, #tpu.memory_space<hbm>> -> memref<256x128xf32, #tpu.memory_space<hbm>>
        tpu.enqueue_dma source(%arg11 : memref<256x128xf32, #tpu.memory_space<vmem>>) target(%dma_start3A_440 : memref<256x128xf32, #tpu.memory_space<hbm>>) target_semaphore(%arg16 : memref<!tpu.dma_semaphore, #tpu.memory_space<semaphore_mem>>)
      } else {
      }
      %mul3A_52 = arith.constant 2 : i32
      %mul3A_53 = arith.muli %scan3A_44, %mul3A_52 : i32
      %add3A_54 = arith.constant 1 : i32
      %add3A_55 = arith.addi %mul3A_53, %add3A_54 : i32
      %lt3A_56 = arith.cmpi slt, %add3A_55, %select_n3A : i32
      %convert_element_type3A_57 = arith.extui %lt3A_56 : i1 to i32
      %cond3A_58 = arith.constant 0 : i32
      %cond3A_59 = arith.cmpi ne, %convert_element_type3A_57, %cond3A_58 : i32
      scf.if %cond3A_59 {
        %mul3A_60 = arith.constant 32 : i32
        %mul3A_61 = arith.muli %add3A_55, %mul3A_60 : i32
        %add3A_62 = arith.addi %add3A, %mul3A_61 : i32
        %mul3A_63 = arith.constant 256 : i32
        %mul3A_64 = arith.muli %add3A_62, %mul3A_63 : i32
        %dma_wait3A_65 = arith.constant 0 : i32
        %dma_wait3A_66 = tpu.memref_slice %arg2[%dma_wait3A_65] : memref<960000xi32, #tpu.memory_space<hbm>> -> memref<768xi32, #tpu.memory_space<hbm>>
        %dma_wait3A_67 = arith.constant 0 : i32
        %dma_wait3A_68 = tpu.memref_slice %arg2[%dma_wait3A_67] : memref<960000xi32, #tpu.memory_space<hbm>> -> memref<768xi32, #tpu.memory_space<hbm>>
        tpu.wait_dma2 semaphore(%arg15 : memref<!tpu.dma_semaphore, #tpu.memory_space<semaphore_mem>>) src(%dma_wait3A_68 : memref<768xi32, #tpu.memory_space<hbm>>) dst(%arg6 : memref<768xi32, #tpu.memory_space<vmem>>)
        %add3A_69 = arith.constant 1 : i32
        %add3A_70 = arith.addi %add3A_55, %add3A_69 : i32
        %lt3A_71 = arith.cmpi slt, %add3A_70, %select_n3A : i32
        %convert_element_type3A_72 = arith.extui %lt3A_71 : i1 to i32
        %cond3A_73 = arith.constant 0 : i32
        %cond3A_74 = arith.cmpi ne, %convert_element_type3A_72, %cond3A_73 : i32
        scf.if %cond3A_74 {
          %add3A_441 = arith.constant 1 : i32
          %add3A_442 = arith.addi %add3A_55, %add3A_441 : i32
          %mul3A_443 = arith.constant 32 : i32
          %mul3A_444 = arith.muli %add3A_442, %mul3A_443 : i32
          %add3A_445 = arith.addi %add3A, %mul3A_444 : i32
          %mul3A_446 = arith.constant 768 : i32
          %mul3A_447 = arith.muli %add3A_445, %mul3A_446 : i32
          %dma_start3A_448 = tpu.memref_slice %arg2[%mul3A_447] : memref<960000xi32, #tpu.memory_space<hbm>> -> memref<768xi32, #tpu.memory_space<hbm>>
          %dma_start3A_449 = tpu.memref_slice %arg2[%mul3A_447] : memref<960000xi32, #tpu.memory_space<hbm>> -> memref<768xi32, #tpu.memory_space<hbm>>
          tpu.enqueue_dma source(%dma_start3A_449 : memref<768xi32, #tpu.memory_space<hbm>>) target(%arg5 : memref<768xi32, #tpu.memory_space<vmem>>) target_semaphore(%arg14 : memref<!tpu.dma_semaphore, #tpu.memory_space<semaphore_mem>>)
        } else {
        }
        %get3A = arith.constant 0 : index
        %get3A_75 = tpu.vector_load %arg6[%get3A] {strides = array<i32>} : memref<768xi32, #tpu.memory_space<vmem>>, vector<16xi32>,
        %get3A_76 = vector.shape_cast %get3A_75 : vector<16xi32> to vector<16xi32>
        %mul3A_77 = arith.constant 32 : i32
        %mul3A_78 = vector.broadcast %mul3A_77 : i32 to vector<16xi32>
        %mul3A_79 = arith.muli %get3A_76, %mul3A_78 : vector<16xi32>
        %get3A_80 = arith.constant 256 : index
        %get3A_81 = tpu.vector_load %arg6[%get3A_80] {strides = array<i32>} : memref<768xi32, #tpu.memory_space<vmem>>, vector<16xi32>,
        %get3A_82 = vector.shape_cast %get3A_81 : vector<16xi32> to vector<16xi32>
        %mul3A_83 = arith.constant 4 : i32
        %mul3A_84 = vector.broadcast %mul3A_83 : i32 to vector<16xi32>
        %mul3A_85 = arith.muli %get3A_82, %mul3A_84 : vector<16xi32>
        %add3A_86 = arith.addi %mul3A_79, %mul3A_85 : vector<16xi32>
        %get3A_87 = arith.constant 512 : index
        %get3A_88 = tpu.vector_load %arg6[%get3A_87] {strides = array<i32>} : memref<768xi32, #tpu.memory_space<vmem>>, vector<16xi32>,
        %get3A_89 = vector.shape_cast %get3A_88 : vector<16xi32> to vector<16xi32>
        %add3A_90 = arith.addi %add3A_86, %get3A_89 : vector<16xi32>
        %swap3A = arith.constant 0 : index
        %swap3A_91 = tpu.vector_load %arg9[%swap3A] {strides = array<i32>} : memref<128xi32, #tpu.memory_space<vmem>>, vector<16xi32>,
        %swap3A_92 = vector.shape_cast %swap3A_91 : vector<16xi32> to vector<16xi32>
        %swap3A_93 = vector.shape_cast %add3A_90 : vector<16xi32> to vector<16xi32>
        tpu.vector_store %arg9[%swap3A], %swap3A_93 {strides = array<i32>} : memref<128xi32, #tpu.memory_space<vmem>>, vector<16xi32>,
        %get3A_94 = arith.constant 16 : index
        %get3A_95 = tpu.vector_load %arg6[%get3A_94] {strides = array<i32>} : memref<768xi32, #tpu.memory_space<vmem>>, vector<16xi32>,
        %get3A_96 = vector.shape_cast %get3A_95 : vector<16xi32> to vector<16xi32>
        %mul3A_97 = arith.constant 32 : i32
        %mul3A_98 = vector.broadcast %mul3A_97 : i32 to vector<16xi32>
        %mul3A_99 = arith.muli %get3A_96, %mul3A_98 : vector<16xi32>
        %get3A_100 = arith.constant 272 : index
        %get3A_101 = tpu.vector_load %arg6[%get3A_100] {strides = array<i32>} : memref<768xi32, #tpu.memory_space<vmem>>, vector<16xi32>,
        %get3A_102 = vector.shape_cast %get3A_101 : vector<16xi32> to vector<16xi32>
        %mul3A_103 = arith.constant 4 : i32
        %mul3A_104 = vector.broadcast %mul3A_103 : i32 to vector<16xi32>
        %mul3A_105 = arith.muli %get3A_102, %mul3A_104 : vector<16xi32>
        %add3A_106 = arith.addi %mul3A_99, %mul3A_105 : vector<16xi32>
        %get3A_107 = arith.constant 528 : index
        %get3A_108 = tpu.vector_load %arg6[%get3A_107] {strides = array<i32>} : memref<768xi32, #tpu.memory_space<vmem>>, vector<16xi32>,
        %get3A_109 = vector.shape_cast %get3A_108 : vector<16xi32> to vector<16xi32>
        %add3A_110 = arith.addi %add3A_106, %get3A_109 : vector<16xi32>
        %swap3A_111 = arith.constant 16 : index
        %swap3A_112 = tpu.vector_load %arg9[%swap3A_111] {strides = array<i32>} : memref<128xi32, #tpu.memory_space<vmem>>, vector<16xi32>,
        %swap3A_113 = vector.shape_cast %swap3A_112 : vector<16xi32> to vector<16xi32>
        %swap3A_114 = vector.shape_cast %add3A_110 : vector<16xi32> to vector<16xi32>
        tpu.vector_store %arg9[%swap3A_111], %swap3A_114 {strides = array<i32>} : memref<128xi32, #tpu.memory_space<vmem>>, vector<16xi32>,
        %get3A_115 = arith.constant 32 : index
        %get3A_116 = tpu.vector_load %arg6[%get3A_115] {strides = array<i32>} : memref<768xi32, #tpu.memory_space<vmem>>, vector<16xi32>,
        %get3A_117 = vector.shape_cast %get3A_116 : vector<16xi32> to vector<16xi32>
        %mul3A_118 = arith.constant 32 : i32
        %mul3A_119 = vector.broadcast %mul3A_118 : i32 to vector<16xi32>
        %mul3A_120 = arith.muli %get3A_117, %mul3A_119 : vector<16xi32>
        %get3A_121 = arith.constant 288 : index
        %get3A_122 = tpu.vector_load %arg6[%get3A_121] {strides = array<i32>} : memref<768xi32, #tpu.memory_space<vmem>>, vector<16xi32>,
        %get3A_123 = vector.shape_cast %get3A_122 : vector<16xi32> to vector<16xi32>
        %mul3A_124 = arith.constant 4 : i32
        %mul3A_125 = vector.broadcast %mul3A_124 : i32 to vector<16xi32>
        %mul3A_126 = arith.muli %get3A_123, %mul3A_125 : vector<16xi32>
        %add3A_127 = arith.addi %mul3A_120, %mul3A_126 : vector<16xi32>
        %get3A_128 = arith.constant 544 : index
        %get3A_129 = tpu.vector_load %arg6[%get3A_128] {strides = array<i32>} : memref<768xi32, #tpu.memory_space<vmem>>, vector<16xi32>,
        %get3A_130 = vector.shape_cast %get3A_129 : vector<16xi32> to vector<16xi32>
        %add3A_131 = arith.addi %add3A_127, %get3A_130 : vector<16xi32>
        %swap3A_132 = arith.constant 32 : index
        %swap3A_133 = tpu.vector_load %arg9[%swap3A_132] {strides = array<i32>} : memref<128xi32, #tpu.memory_space<vmem>>, vector<16xi32>,
        %swap3A_134 = vector.shape_cast %swap3A_133 : vector<16xi32> to vector<16xi32>
        %swap3A_135 = vector.shape_cast %add3A_131 : vector<16xi32> to vector<16xi32>
        tpu.vector_store %arg9[%swap3A_132], %swap3A_135 {strides = array<i32>} : memref<128xi32, #tpu.memory_space<vmem>>, vector<16xi32>,
        %get3A_136 = arith.constant 48 : index
        %get3A_137 = tpu.vector_load %arg6[%get3A_136] {strides = array<i32>} : memref<768xi32, #tpu.memory_space<vmem>>, vector<16xi32>,
        %get3A_138 = vector.shape_cast %get3A_137 : vector<16xi32> to vector<16xi32>
        %mul3A_139 = arith.constant 32 : i32
        %mul3A_140 = vector.broadcast %mul3A_139 : i32 to vector<16xi32>
        %mul3A_141 = arith.muli %get3A_138, %mul3A_140 : vector<16xi32>
        %get3A_142 = arith.constant 304 : index
        %get3A_143 = tpu.vector_load %arg6[%get3A_142] {strides = array<i32>} : memref<768xi32, #tpu.memory_space<vmem>>, vector<16xi32>,
        %get3A_144 = vector.shape_cast %get3A_143 : vector<16xi32> to vector<16xi32>
        %mul3A_145 = arith.constant 4 : i32
        %mul3A_146 = vector.broadcast %mul3A_145 : i32 to vector<16xi32>
        %mul3A_147 = arith.muli %get3A_144, %mul3A_146 : vector<16xi32>
        %add3A_148 = arith.addi %mul3A_141, %mul3A_147 : vector<16xi32>
        %get3A_149 = arith.constant 560 : index
        %get3A_150 = tpu.vector_load %arg6[%get3A_149] {strides = array<i32>} : memref<768xi32, #tpu.memory_space<vmem>>, vector<16xi32>,
        %get3A_151 = vector.shape_cast %get3A_150 : vector<16xi32> to vector<16xi32>
        %add3A_152 = arith.addi %add3A_148, %get3A_151 : vector<16xi32>
        %swap3A_153 = arith.constant 48 : index
        %swap3A_154 = tpu.vector_load %arg9[%swap3A_153] {strides = array<i32>} : memref<128xi32, #tpu.memory_space<vmem>>, vector<16xi32>,
        %swap3A_155 = vector.shape_cast %swap3A_154 : vector<16xi32> to vector<16xi32>
        %swap3A_156 = vector.shape_cast %add3A_152 : vector<16xi32> to vector<16xi32>
        tpu.vector_store %arg9[%swap3A_153], %swap3A_156 {strides = array<i32>} : memref<128xi32, #tpu.memory_space<vmem>>, vector<16xi32>,
        %get3A_157 = arith.constant 64 : index
        %get3A_158 = tpu.vector_load %arg6[%get3A_157] {strides = array<i32>} : memref<768xi32, #tpu.memory_space<vmem>>, vector<16xi32>,
        %get3A_159 = vector.shape_cast %get3A_158 : vector<16xi32> to vector<16xi32>
        %mul3A_160 = arith.constant 32 : i32
        %mul3A_161 = vector.broadcast %mul3A_160 : i32 to vector<16xi32>
        %mul3A_162 = arith.muli %get3A_159, %mul3A_161 : vector<16xi32>
        %get3A_163 = arith.constant 320 : index
        %get3A_164 = tpu.vector_load %arg6[%get3A_163] {strides = array<i32>} : memref<768xi32, #tpu.memory_space<vmem>>, vector<16xi32>,
        %get3A_165 = vector.shape_cast %get3A_164 : vector<16xi32> to vector<16xi32>
        %mul3A_166 = arith.constant 4 : i32
        %mul3A_167 = vector.broadcast %mul3A_166 : i32 to vector<16xi32>
        %mul3A_168 = arith.muli %get3A_165, %mul3A_167 : vector<16xi32>
        %add3A_169 = arith.addi %mul3A_162, %mul3A_168 : vector<16xi32>
        %get3A_170 = arith.constant 576 : index
        %get3A_171 = tpu.vector_load %arg6[%get3A_170] {strides = array<i32>} : memref<768xi32, #tpu.memory_space<vmem>>, vector<16xi32>,
        %get3A_172 = vector.shape_cast %get3A_171 : vector<16xi32> to vector<16xi32>
        %add3A_173 = arith.addi %add3A_169, %get3A_172 : vector<16xi32>
        %swap3A_174 = arith.constant 64 : index
        %swap3A_175 = tpu.vector_load %arg9[%swap3A_174] {strides = array<i32>} : memref<128xi32, #tpu.memory_space<vmem>>, vector<16xi32>,
        %swap3A_176 = vector.shape_cast %swap3A_175 : vector<16xi32> to vector<16xi32>
        %swap3A_177 = vector.shape_cast %add3A_173 : vector<16xi32> to vector<16xi32>
        tpu.vector_store %arg9[%swap3A_174], %swap3A_177 {strides = array<i32>} : memref<128xi32, #tpu.memory_space<vmem>>, vector<16xi32>,
        %get3A_178 = arith.constant 80 : index
        %get3A_179 = tpu.vector_load %arg6[%get3A_178] {strides = array<i32>} : memref<768xi32, #tpu.memory_space<vmem>>, vector<16xi32>,
        %get3A_180 = vector.shape_cast %get3A_179 : vector<16xi32> to vector<16xi32>
        %mul3A_181 = arith.constant 32 : i32
        %mul3A_182 = vector.broadcast %mul3A_181 : i32 to vector<16xi32>
        %mul3A_183 = arith.muli %get3A_180, %mul3A_182 : vector<16xi32>
        %get3A_184 = arith.constant 336 : index
        %get3A_185 = tpu.vector_load %arg6[%get3A_184] {strides = array<i32>} : memref<768xi32, #tpu.memory_space<vmem>>, vector<16xi32>,
        %get3A_186 = vector.shape_cast %get3A_185 : vector<16xi32> to vector<16xi32>
        %mul3A_187 = arith.constant 4 : i32
        %mul3A_188 = vector.broadcast %mul3A_187 : i32 to vector<16xi32>
        %mul3A_189 = arith.muli %get3A_186, %mul3A_188 : vector<16xi32>
        %add3A_190 = arith.addi %mul3A_183, %mul3A_189 : vector<16xi32>
        %get3A_191 = arith.constant 592 : index
        %get3A_192 = tpu.vector_load %arg6[%get3A_191] {strides = array<i32>} : memref<768xi32, #tpu.memory_space<vmem>>, vector<16xi32>,
        %get3A_193 = vector.shape_cast %get3A_192 : vector<16xi32> to vector<16xi32>
        %add3A_194 = arith.addi %add3A_190, %get3A_193 : vector<16xi32>
        %swap3A_195 = arith.constant 80 : index
        %swap3A_196 = tpu.vector_load %arg9[%swap3A_195] {strides = array<i32>} : memref<128xi32, #tpu.memory_space<vmem>>, vector<16xi32>,
        %swap3A_197 = vector.shape_cast %swap3A_196 : vector<16xi32> to vector<16xi32>
        %swap3A_198 = vector.shape_cast %add3A_194 : vector<16xi32> to vector<16xi32>
        tpu.vector_store %arg9[%swap3A_195], %swap3A_198 {strides = array<i32>} : memref<128xi32, #tpu.memory_space<vmem>>, vector<16xi32>,
        %get3A_199 = arith.constant 96 : index
        %get3A_200 = tpu.vector_load %arg6[%get3A_199] {strides = array<i32>} : memref<768xi32, #tpu.memory_space<vmem>>, vector<16xi32>,
        %get3A_201 = vector.shape_cast %get3A_200 : vector<16xi32> to vector<16xi32>
        %mul3A_202 = arith.constant 32 : i32
        %mul3A_203 = vector.broadcast %mul3A_202 : i32 to vector<16xi32>
        %mul3A_204 = arith.muli %get3A_201, %mul3A_203 : vector<16xi32>
        %get3A_205 = arith.constant 352 : index
        %get3A_206 = tpu.vector_load %arg6[%get3A_205] {strides = array<i32>} : memref<768xi32, #tpu.memory_space<vmem>>, vector<16xi32>,
        %get3A_207 = vector.shape_cast %get3A_206 : vector<16xi32> to vector<16xi32>
        %mul3A_208 = arith.constant 4 : i32
        %mul3A_209 = vector.broadcast %mul3A_208 : i32 to vector<16xi32>
        %mul3A_210 = arith.muli %get3A_207, %mul3A_209 : vector<16xi32>
        %add3A_211 = arith.addi %mul3A_204, %mul3A_210 : vector<16xi32>
        %get3A_212 = arith.constant 608 : index
        %get3A_213 = tpu.vector_load %arg6[%get3A_212] {strides = array<i32>} : memref<768xi32, #tpu.memory_space<vmem>>, vector<16xi32>,
        %get3A_214 = vector.shape_cast %get3A_213 : vector<16xi32> to vector<16xi32>
        %add3A_215 = arith.addi %add3A_211, %get3A_214 : vector<16xi32>
        %swap3A_216 = arith.constant 96 : index
        %swap3A_217 = tpu.vector_load %arg9[%swap3A_216] {strides = array<i32>} : memref<128xi32, #tpu.memory_space<vmem>>, vector<16xi32>,
        %swap3A_218 = vector.shape_cast %swap3A_217 : vector<16xi32> to vector<16xi32>
        %swap3A_219 = vector.shape_cast %add3A_215 : vector<16xi32> to vector<16xi32>
        tpu.vector_store %arg9[%swap3A_216], %swap3A_219 {strides = array<i32>} : memref<128xi32, #tpu.memory_space<vmem>>, vector<16xi32>,
        %get3A_220 = arith.constant 112 : index
        %get3A_221 = tpu.vector_load %arg6[%get3A_220] {strides = array<i32>} : memref<768xi32, #tpu.memory_space<vmem>>, vector<16xi32>,
        %get3A_222 = vector.shape_cast %get3A_221 : vector<16xi32> to vector<16xi32>
        %mul3A_223 = arith.constant 32 : i32
        %mul3A_224 = vector.broadcast %mul3A_223 : i32 to vector<16xi32>
        %mul3A_225 = arith.muli %get3A_222, %mul3A_224 : vector<16xi32>
        %get3A_226 = arith.constant 368 : index
        %get3A_227 = tpu.vector_load %arg6[%get3A_226] {strides = array<i32>} : memref<768xi32, #tpu.memory_space<vmem>>, vector<16xi32>,
        %get3A_228 = vector.shape_cast %get3A_227 : vector<16xi32> to vector<16xi32>
        %mul3A_229 = arith.constant 4 : i32
        %mul3A_230 = vector.broadcast %mul3A_229 : i32 to vector<16xi32>
        %mul3A_231 = arith.muli %get3A_228, %mul3A_230 : vector<16xi32>
        %add3A_232 = arith.addi %mul3A_225, %mul3A_231 : vector<16xi32>
        %get3A_233 = arith.constant 624 : index
        %get3A_234 = tpu.vector_load %arg6[%get3A_233] {strides = array<i32>} : memref<768xi32, #tpu.memory_space<vmem>>, vector<16xi32>,
        %get3A_235 = vector.shape_cast %get3A_234 : vector<16xi32> to vector<16xi32>
        %add3A_236 = arith.addi %add3A_232, %get3A_235 : vector<16xi32>
        %swap3A_237 = arith.constant 112 : index
        %swap3A_238 = tpu.vector_load %arg9[%swap3A_237] {strides = array<i32>} : memref<128xi32, #tpu.memory_space<vmem>>, vector<16xi32>,
        %swap3A_239 = vector.shape_cast %swap3A_238 : vector<16xi32> to vector<16xi32>
        %swap3A_240 = vector.shape_cast %add3A_236 : vector<16xi32> to vector<16xi32>
        tpu.vector_store %arg9[%swap3A_237], %swap3A_240 {strides = array<i32>} : memref<128xi32, #tpu.memory_space<vmem>>, vector<16xi32>,
        %get3A_241 = arith.constant 128 : index
        %get3A_242 = tpu.vector_load %arg6[%get3A_241] {strides = array<i32>} : memref<768xi32, #tpu.memory_space<vmem>>, vector<16xi32>,
        %get3A_243 = vector.shape_cast %get3A_242 : vector<16xi32> to vector<16xi32>
        %mul3A_244 = arith.constant 32 : i32
        %mul3A_245 = vector.broadcast %mul3A_244 : i32 to vector<16xi32>
        %mul3A_246 = arith.muli %get3A_243, %mul3A_245 : vector<16xi32>
        %get3A_247 = arith.constant 384 : index
        %get3A_248 = tpu.vector_load %arg6[%get3A_247] {strides = array<i32>} : memref<768xi32, #tpu.memory_space<vmem>>, vector<16xi32>,
        %get3A_249 = vector.shape_cast %get3A_248 : vector<16xi32> to vector<16xi32>
        %mul3A_250 = arith.constant 4 : i32
        %mul3A_251 = vector.broadcast %mul3A_250 : i32 to vector<16xi32>
        %mul3A_252 = arith.muli %get3A_249, %mul3A_251 : vector<16xi32>
        %add3A_253 = arith.addi %mul3A_246, %mul3A_252 : vector<16xi32>
        %get3A_254 = arith.constant 640 : index
        %get3A_255 = tpu.vector_load %arg6[%get3A_254] {strides = array<i32>} : memref<768xi32, #tpu.memory_space<vmem>>, vector<16xi32>,
        %get3A_256 = vector.shape_cast %get3A_255 : vector<16xi32> to vector<16xi32>
        %add3A_257 = arith.addi %add3A_253, %get3A_256 : vector<16xi32>
        %swap3A_258 = arith.constant 0 : index
        %swap3A_259 = tpu.vector_load %arg10[%swap3A_258] {strides = array<i32>} : memref<128xi32, #tpu.memory_space<vmem>>, vector<16xi32>,
        %swap3A_260 = vector.shape_cast %swap3A_259 : vector<16xi32> to vector<16xi32>
        %swap3A_261 = vector.shape_cast %add3A_257 : vector<16xi32> to vector<16xi32>
        tpu.vector_store %arg10[%swap3A_258], %swap3A_261 {strides = array<i32>} : memref<128xi32, #tpu.memory_space<vmem>>, vector<16xi32>,
        %get3A_262 = arith.constant 144 : index
        %get3A_263 = tpu.vector_load %arg6[%get3A_262] {strides = array<i32>} : memref<768xi32, #tpu.memory_space<vmem>>, vector<16xi32>,
        %get3A_264 = vector.shape_cast %get3A_263 : vector<16xi32> to vector<16xi32>
        %mul3A_265 = arith.constant 32 : i32
        %mul3A_266 = vector.broadcast %mul3A_265 : i32 to vector<16xi32>
        %mul3A_267 = arith.muli %get3A_264, %mul3A_266 : vector<16xi32>
        %get3A_268 = arith.constant 400 : index
        %get3A_269 = tpu.vector_load %arg6[%get3A_268] {strides = array<i32>} : memref<768xi32, #tpu.memory_space<vmem>>, vector<16xi32>,
        %get3A_270 = vector.shape_cast %get3A_269 : vector<16xi32> to vector<16xi32>
        %mul3A_271 = arith.constant 4 : i32
        %mul3A_272 = vector.broadcast %mul3A_271 : i32 to vector<16xi32>
        %mul3A_273 = arith.muli %get3A_270, %mul3A_272 : vector<16xi32>
        %add3A_274 = arith.addi %mul3A_267, %mul3A_273 : vector<16xi32>
        %get3A_275 = arith.constant 656 : index
        %get3A_276 = tpu.vector_load %arg6[%get3A_275] {strides = array<i32>} : memref<768xi32, #tpu.memory_space<vmem>>, vector<16xi32>,
        %get3A_277 = vector.shape_cast %get3A_276 : vector<16xi32> to vector<16xi32>
        %add3A_278 = arith.addi %add3A_274, %get3A_277 : vector<16xi32>
        %swap3A_279 = arith.constant 16 : index
        %swap3A_280 = tpu.vector_load %arg10[%swap3A_279] {strides = array<i32>} : memref<128xi32, #tpu.memory_space<vmem>>, vector<16xi32>,
        %swap3A_281 = vector.shape_cast %swap3A_280 : vector<16xi32> to vector<16xi32>
        %swap3A_282 = vector.shape_cast %add3A_278 : vector<16xi32> to vector<16xi32>
        tpu.vector_store %arg10[%swap3A_279], %swap3A_282 {strides = array<i32>} : memref<128xi32, #tpu.memory_space<vmem>>, vector<16xi32>,
        %get3A_283 = arith.constant 160 : index
        %get3A_284 = tpu.vector_load %arg6[%get3A_283] {strides = array<i32>} : memref<768xi32, #tpu.memory_space<vmem>>, vector<16xi32>,
        %get3A_285 = vector.shape_cast %get3A_284 : vector<16xi32> to vector<16xi32>
        %mul3A_286 = arith.constant 32 : i32
        %mul3A_287 = vector.broadcast %mul3A_286 : i32 to vector<16xi32>
        %mul3A_288 = arith.muli %get3A_285, %mul3A_287 : vector<16xi32>
        %get3A_289 = arith.constant 416 : index
        %get3A_290 = tpu.vector_load %arg6[%get3A_289] {strides = array<i32>} : memref<768xi32, #tpu.memory_space<vmem>>, vector<16xi32>,
        %get3A_291 = vector.shape_cast %get3A_290 : vector<16xi32> to vector<16xi32>
        %mul3A_292 = arith.constant 4 : i32
        %mul3A_293 = vector.broadcast %mul3A_292 : i32 to vector<16xi32>
        %mul3A_294 = arith.muli %get3A_291, %mul3A_293 : vector<16xi32>
        %add3A_295 = arith.addi %mul3A_288, %mul3A_294 : vector<16xi32>
        %get3A_296 = arith.constant 672 : index
        %get3A_297 = tpu.vector_load %arg6[%get3A_296] {strides = array<i32>} : memref<768xi32, #tpu.memory_space<vmem>>, vector<16xi32>,
        %get3A_298 = vector.shape_cast %get3A_297 : vector<16xi32> to vector<16xi32>
        %add3A_299 = arith.addi %add3A_295, %get3A_298 : vector<16xi32>
        %swap3A_300 = arith.constant 32 : index
        %swap3A_301 = tpu.vector_load %arg10[%swap3A_300] {strides = array<i32>} : memref<128xi32, #tpu.memory_space<vmem>>, vector<16xi32>,
        %swap3A_302 = vector.shape_cast %swap3A_301 : vector<16xi32> to vector<16xi32>
        %swap3A_303 = vector.shape_cast %add3A_299 : vector<16xi32> to vector<16xi32>
        tpu.vector_store %arg10[%swap3A_300], %swap3A_303 {strides = array<i32>} : memref<128xi32, #tpu.memory_space<vmem>>, vector<16xi32>,
        %get3A_304 = arith.constant 176 : index
        %get3A_305 = tpu.vector_load %arg6[%get3A_304] {strides = array<i32>} : memref<768xi32, #tpu.memory_space<vmem>>, vector<16xi32>,
        %get3A_306 = vector.shape_cast %get3A_305 : vector<16xi32> to vector<16xi32>
        %mul3A_307 = arith.constant 32 : i32
        %mul3A_308 = vector.broadcast %mul3A_307 : i32 to vector<16xi32>
        %mul3A_309 = arith.muli %get3A_306, %mul3A_308 : vector<16xi32>
        %get3A_310 = arith.constant 432 : index
        %get3A_311 = tpu.vector_load %arg6[%get3A_310] {strides = array<i32>} : memref<768xi32, #tpu.memory_space<vmem>>, vector<16xi32>,
        %get3A_312 = vector.shape_cast %get3A_311 : vector<16xi32> to vector<16xi32>
        %mul3A_313 = arith.constant 4 : i32
        %mul3A_314 = vector.broadcast %mul3A_313 : i32 to vector<16xi32>
        %mul3A_315 = arith.muli %get3A_312, %mul3A_314 : vector<16xi32>
        %add3A_316 = arith.addi %mul3A_309, %mul3A_315 : vector<16xi32>
        %get3A_317 = arith.constant 688 : index
        %get3A_318 = tpu.vector_load %arg6[%get3A_317] {strides = array<i32>} : memref<768xi32, #tpu.memory_space<vmem>>, vector<16xi32>,
        %get3A_319 = vector.shape_cast %get3A_318 : vector<16xi32> to vector<16xi32>
        %add3A_320 = arith.addi %add3A_316, %get3A_319 : vector<16xi32>
        %swap3A_321 = arith.constant 48 : index
        %swap3A_322 = tpu.vector_load %arg10[%swap3A_321] {strides = array<i32>} : memref<128xi32, #tpu.memory_space<vmem>>, vector<16xi32>,
        %swap3A_323 = vector.shape_cast %swap3A_322 : vector<16xi32> to vector<16xi32>
        %swap3A_324 = vector.shape_cast %add3A_320 : vector<16xi32> to vector<16xi32>
        tpu.vector_store %arg10[%swap3A_321], %swap3A_324 {strides = array<i32>} : memref<128xi32, #tpu.memory_space<vmem>>, vector<16xi32>,
        %get3A_325 = arith.constant 192 : index
        %get3A_326 = tpu.vector_load %arg6[%get3A_325] {strides = array<i32>} : memref<768xi32, #tpu.memory_space<vmem>>, vector<16xi32>,
        %get3A_327 = vector.shape_cast %get3A_326 : vector<16xi32> to vector<16xi32>
        %mul3A_328 = arith.constant 32 : i32
        %mul3A_329 = vector.broadcast %mul3A_328 : i32 to vector<16xi32>
        %mul3A_330 = arith.muli %get3A_327, %mul3A_329 : vector<16xi32>
        %get3A_331 = arith.constant 448 : index
        %get3A_332 = tpu.vector_load %arg6[%get3A_331] {strides = array<i32>} : memref<768xi32, #tpu.memory_space<vmem>>, vector<16xi32>,
        %get3A_333 = vector.shape_cast %get3A_332 : vector<16xi32> to vector<16xi32>
        %mul3A_334 = arith.constant 4 : i32
        %mul3A_335 = vector.broadcast %mul3A_334 : i32 to vector<16xi32>
        %mul3A_336 = arith.muli %get3A_333, %mul3A_335 : vector<16xi32>
        %add3A_337 = arith.addi %mul3A_330, %mul3A_336 : vector<16xi32>
        %get3A_338 = arith.constant 704 : index
        %get3A_339 = tpu.vector_load %arg6[%get3A_338] {strides = array<i32>} : memref<768xi32, #tpu.memory_space<vmem>>, vector<16xi32>,
        %get3A_340 = vector.shape_cast %get3A_339 : vector<16xi32> to vector<16xi32>
        %add3A_341 = arith.addi %add3A_337, %get3A_340 : vector<16xi32>
        %swap3A_342 = arith.constant 64 : index
        %swap3A_343 = tpu.vector_load %arg10[%swap3A_342] {strides = array<i32>} : memref<128xi32, #tpu.memory_space<vmem>>, vector<16xi32>,
        %swap3A_344 = vector.shape_cast %swap3A_343 : vector<16xi32> to vector<16xi32>
        %swap3A_345 = vector.shape_cast %add3A_341 : vector<16xi32> to vector<16xi32>
        tpu.vector_store %arg10[%swap3A_342], %swap3A_345 {strides = array<i32>} : memref<128xi32, #tpu.memory_space<vmem>>, vector<16xi32>,
        %get3A_346 = arith.constant 208 : index
        %get3A_347 = tpu.vector_load %arg6[%get3A_346] {strides = array<i32>} : memref<768xi32, #tpu.memory_space<vmem>>, vector<16xi32>,
        %get3A_348 = vector.shape_cast %get3A_347 : vector<16xi32> to vector<16xi32>
        %mul3A_349 = arith.constant 32 : i32
        %mul3A_350 = vector.broadcast %mul3A_349 : i32 to vector<16xi32>
        %mul3A_351 = arith.muli %get3A_348, %mul3A_350 : vector<16xi32>
        %get3A_352 = arith.constant 464 : index
        %get3A_353 = tpu.vector_load %arg6[%get3A_352] {strides = array<i32>} : memref<768xi32, #tpu.memory_space<vmem>>, vector<16xi32>,
        %get3A_354 = vector.shape_cast %get3A_353 : vector<16xi32> to vector<16xi32>
        %mul3A_355 = arith.constant 4 : i32
        %mul3A_356 = vector.broadcast %mul3A_355 : i32 to vector<16xi32>
        %mul3A_357 = arith.muli %get3A_354, %mul3A_356 : vector<16xi32>
        %add3A_358 = arith.addi %mul3A_351, %mul3A_357 : vector<16xi32>
        %get3A_359 = arith.constant 720 : index
        %get3A_360 = tpu.vector_load %arg6[%get3A_359] {strides = array<i32>} : memref<768xi32, #tpu.memory_space<vmem>>, vector<16xi32>,
        %get3A_361 = vector.shape_cast %get3A_360 : vector<16xi32> to vector<16xi32>
        %add3A_362 = arith.addi %add3A_358, %get3A_361 : vector<16xi32>
        %swap3A_363 = arith.constant 80 : index
        %swap3A_364 = tpu.vector_load %arg10[%swap3A_363] {strides = array<i32>} : memref<128xi32, #tpu.memory_space<vmem>>, vector<16xi32>,
        %swap3A_365 = vector.shape_cast %swap3A_364 : vector<16xi32> to vector<16xi32>
        %swap3A_366 = vector.shape_cast %add3A_362 : vector<16xi32> to vector<16xi32>
        tpu.vector_store %arg10[%swap3A_363], %swap3A_366 {strides = array<i32>} : memref<128xi32, #tpu.memory_space<vmem>>, vector<16xi32>,
        %get3A_367 = arith.constant 224 : index
        %get3A_368 = tpu.vector_load %arg6[%get3A_367] {strides = array<i32>} : memref<768xi32, #tpu.memory_space<vmem>>, vector<16xi32>,
        %get3A_369 = vector.shape_cast %get3A_368 : vector<16xi32> to vector<16xi32>
        %mul3A_370 = arith.constant 32 : i32
        %mul3A_371 = vector.broadcast %mul3A_370 : i32 to vector<16xi32>
        %mul3A_372 = arith.muli %get3A_369, %mul3A_371 : vector<16xi32>
        %get3A_373 = arith.constant 480 : index
        %get3A_374 = tpu.vector_load %arg6[%get3A_373] {strides = array<i32>} : memref<768xi32, #tpu.memory_space<vmem>>, vector<16xi32>,
        %get3A_375 = vector.shape_cast %get3A_374 : vector<16xi32> to vector<16xi32>
        %mul3A_376 = arith.constant 4 : i32
        %mul3A_377 = vector.broadcast %mul3A_376 : i32 to vector<16xi32>
        %mul3A_378 = arith.muli %get3A_375, %mul3A_377 : vector<16xi32>
        %add3A_379 = arith.addi %mul3A_372, %mul3A_378 : vector<16xi32>
        %get3A_380 = arith.constant 736 : index
        %get3A_381 = tpu.vector_load %arg6[%get3A_380] {strides = array<i32>} : memref<768xi32, #tpu.memory_space<vmem>>, vector<16xi32>,
        %get3A_382 = vector.shape_cast %get3A_381 : vector<16xi32> to vector<16xi32>
        %add3A_383 = arith.addi %add3A_379, %get3A_382 : vector<16xi32>
        %swap3A_384 = arith.constant 96 : index
        %swap3A_385 = tpu.vector_load %arg10[%swap3A_384] {strides = array<i32>} : memref<128xi32, #tpu.memory_space<vmem>>, vector<16xi32>,
        %swap3A_386 = vector.shape_cast %swap3A_385 : vector<16xi32> to vector<16xi32>
        %swap3A_387 = vector.shape_cast %add3A_383 : vector<16xi32> to vector<16xi32>
        tpu.vector_store %arg10[%swap3A_384], %swap3A_387 {strides = array<i32>} : memref<128xi32, #tpu.memory_space<vmem>>, vector<16xi32>,
        %get3A_388 = arith.constant 240 : index
        %get3A_389 = tpu.vector_load %arg6[%get3A_388] {strides = array<i32>} : memref<768xi32, #tpu.memory_space<vmem>>, vector<16xi32>,
        %get3A_390 = vector.shape_cast %get3A_389 : vector<16xi32> to vector<16xi32>
        %mul3A_391 = arith.constant 32 : i32
        %mul3A_392 = vector.broadcast %mul3A_391 : i32 to vector<16xi32>
        %mul3A_393 = arith.muli %get3A_390, %mul3A_392 : vector<16xi32>
        %get3A_394 = arith.constant 496 : index
        %get3A_395 = tpu.vector_load %arg6[%get3A_394] {strides = array<i32>} : memref<768xi32, #tpu.memory_space<vmem>>, vector<16xi32>,
        %get3A_396 = vector.shape_cast %get3A_395 : vector<16xi32> to vector<16xi32>
        %mul3A_397 = arith.constant 4 : i32
        %mul3A_398 = vector.broadcast %mul3A_397 : i32 to vector<16xi32>
        %mul3A_399 = arith.muli %get3A_396, %mul3A_398 : vector<16xi32>
        %add3A_400 = arith.addi %mul3A_393, %mul3A_399 : vector<16xi32>
        %get3A_401 = arith.constant 752 : index
        %get3A_402 = tpu.vector_load %arg6[%get3A_401] {strides = array<i32>} : memref<768xi32, #tpu.memory_space<vmem>>, vector<16xi32>,
        %get3A_403 = vector.shape_cast %get3A_402 : vector<16xi32> to vector<16xi32>
        %add3A_404 = arith.addi %add3A_400, %get3A_403 : vector<16xi32>
        %swap3A_405 = arith.constant 112 : index
        %swap3A_406 = tpu.vector_load %arg10[%swap3A_405] {strides = array<i32>} : memref<128xi32, #tpu.memory_space<vmem>>, vector<16xi32>,
        %swap3A_407 = vector.shape_cast %swap3A_406 : vector<16xi32> to vector<16xi32>
        %swap3A_408 = vector.shape_cast %add3A_404 : vector<16xi32> to vector<16xi32>
        tpu.vector_store %arg10[%swap3A_405], %swap3A_408 {strides = array<i32>} : memref<128xi32, #tpu.memory_space<vmem>>, vector<16xi32>,
        %ge3A = arith.constant 2 : i32
        %ge3A_409 = arith.cmpi sge, %add3A_55, %ge3A : i32
        %convert_element_type3A_410 = arith.extui %ge3A_409 : i1 to i32
        %cond3A_411 = arith.constant 0 : i32
        %cond3A_412 = arith.cmpi ne, %convert_element_type3A_410, %cond3A_411 : i32
        scf.if %cond3A_412 {
          %dma_wait3A_441 = arith.constant 0 : i32
          %dma_wait3A_442 = arith.constant 0 : i32
          %dma_wait3A_443 = tpu.memref_slice %arg4[%dma_wait3A_441, %dma_wait3A_442] : memref<320000x128xf32, #tpu.memory_space<hbm>> -> memref<256x128xf32, #tpu.memory_space<hbm>>
          %dma_wait3A_444 = arith.constant 0 : i32
          %dma_wait3A_445 = arith.constant 0 : i32
          %dma_wait3A_446 = tpu.memref_slice %arg4[%dma_wait3A_444, %dma_wait3A_445] : memref<320000x128xf32, #tpu.memory_space<hbm>> -> memref<256x128xf32, #tpu.memory_space<hbm>>
          tpu.wait_dma2 semaphore(%arg17 : memref<!tpu.dma_semaphore, #tpu.memory_space<semaphore_mem>>) src(%arg12 : memref<256x128xf32, #tpu.memory_space<vmem>>) dst(%dma_wait3A_446 : memref<256x128xf32, #tpu.memory_space<hbm>>)
        } else {
        }
        %dma_start3A_413 = arith.constant 0 : i32
        %dma_start3A_414 = arith.constant 0 : i32
        %dma_start3A_415 = tpu.memref_slice %arg12[%dma_start3A_413, %dma_start3A_414] : memref<256x128xf32, #tpu.memory_space<vmem>> -> memref<128x128xf32, #tpu.memory_space<vmem>>
        %dma_start3A_416 = arith.constant 0 : i32
        %dma_start3A_417 = arith.constant 0 : i32
        %dma_start3A_418 = tpu.memref_slice %arg13[%dma_start3A_416, %dma_start3A_417] : memref<224x128xf32, #tpu.memory_space<vmem_shared>> -> memref<224x128xf32, #tpu.memory_space<vmem_shared>>
        tpu.enqueue_indirect_dma source(%dma_start3A_418 : memref<224x128xf32, #tpu.memory_space<vmem_shared>>) target(%dma_start3A_415 : memref<128x128xf32, #tpu.memory_space<vmem>>) offsets(%arg9 : memref<128xi32, #tpu.memory_space<vmem>>) semaphore(%arg18 : memref<!tpu.dma_semaphore, #tpu.memory_space<semaphore_mem>>)
        %dma_start3A_419 = arith.constant 128 : i32
        %dma_start3A_420 = arith.constant 0 : i32
        %dma_start3A_421 = tpu.memref_slice %arg12[%dma_start3A_419, %dma_start3A_420] : memref<256x128xf32, #tpu.memory_space<vmem>> -> memref<128x128xf32, #tpu.memory_space<vmem>>
        %dma_start3A_422 = arith.constant 0 : i32
        %dma_start3A_423 = arith.constant 0 : i32
        %dma_start3A_424 = tpu.memref_slice %arg13[%dma_start3A_422, %dma_start3A_423] : memref<224x128xf32, #tpu.memory_space<vmem_shared>> -> memref<224x128xf32, #tpu.memory_space<vmem_shared>>
        tpu.enqueue_indirect_dma source(%dma_start3A_424 : memref<224x128xf32, #tpu.memory_space<vmem_shared>>) target(%dma_start3A_421 : memref<128x128xf32, #tpu.memory_space<vmem>>) offsets(%arg10 : memref<128xi32, #tpu.memory_space<vmem>>) semaphore(%arg18 : memref<!tpu.dma_semaphore, #tpu.memory_space<semaphore_mem>>)
        %dma_wait3A_425 = arith.constant 0 : i32
        %dma_wait3A_426 = arith.constant 0 : i32
        %dma_wait3A_427 = tpu.memref_slice %arg12[%dma_wait3A_425, %dma_wait3A_426] : memref<256x128xf32, #tpu.memory_space<vmem>> -> memref<128x128xf32, #tpu.memory_space<vmem>>
        %dma_wait3A_428 = arith.constant 0 : i32
        %dma_wait3A_429 = arith.constant 0 : i32
        %dma_wait3A_430 = tpu.memref_slice %arg13[%dma_wait3A_428, %dma_wait3A_429] : memref<224x128xf32, #tpu.memory_space<vmem_shared>> -> memref<224x128xf32, #tpu.memory_space<vmem_shared>>
        tpu.wait_indirect_dma semaphore(%arg18 : memref<!tpu.dma_semaphore, #tpu.memory_space<semaphore_mem>>) src(%dma_wait3A_430 : memref<224x128xf32, #tpu.memory_space<vmem_shared>>) dst(%dma_wait3A_427 : memref<128x128xf32, #tpu.memory_space<vmem>>)
        %dma_wait3A_431 = arith.constant 128 : i32
        %dma_wait3A_432 = arith.constant 0 : i32
        %dma_wait3A_433 = tpu.memref_slice %arg12[%dma_wait3A_431, %dma_wait3A_432] : memref<256x128xf32, #tpu.memory_space<vmem>> -> memref<128x128xf32, #tpu.memory_space<vmem>>
        %dma_wait3A_434 = arith.constant 0 : i32
        %dma_wait3A_435 = arith.constant 0 : i32
        %dma_wait3A_436 = tpu.memref_slice %arg13[%dma_wait3A_434, %dma_wait3A_435] : memref<224x128xf32, #tpu.memory_space<vmem_shared>> -> memref<224x128xf32, #tpu.memory_space<vmem_shared>>
        tpu.wait_indirect_dma semaphore(%arg18 : memref<!tpu.dma_semaphore, #tpu.memory_space<semaphore_mem>>) src(%dma_wait3A_436 : memref<224x128xf32, #tpu.memory_space<vmem_shared>>) dst(%dma_wait3A_433 : memref<128x128xf32, #tpu.memory_space<vmem>>)
        %dma_start3A_437 = arith.constant 0 : i32
        %dma_start3A_438 = tpu.memref_slice %arg4[%mul3A_64, %dma_start3A_437] : memref<320000x128xf32, #tpu.memory_space<hbm>> -> memref<256x128xf32, #tpu.memory_space<hbm>>
        %dma_start3A_439 = arith.constant 0 : i32
        %dma_start3A_440 = tpu.memref_slice %arg4[%mul3A_64, %dma_start3A_439] : memref<320000x128xf32, #tpu.memory_space<hbm>> -> memref<256x128xf32, #tpu.memory_space<hbm>>
        tpu.enqueue_dma source(%arg12 : memref<256x128xf32, #tpu.memory_space<vmem>>) target(%dma_start3A_440 : memref<256x128xf32, #tpu.memory_space<hbm>>) target_semaphore(%arg17 : memref<!tpu.dma_semaphore, #tpu.memory_space<semaphore_mem>>)
      } else {
      }
    }
    %scan3A_32 = arith.constant 20 : i32
    %dma_wait3A = arith.constant 0 : i32
    %dma_wait3A_33 = arith.constant 0 : i32
    %dma_wait3A_34 = tpu.memref_slice %arg4[%dma_wait3A, %dma_wait3A_33] : memref<320000x128xf32, #tpu.memory_space<hbm>> -> memref<256x128xf32, #tpu.memory_space<hbm>>
    %dma_wait3A_35 = arith.constant 0 : i32
    %dma_wait3A_36 = arith.constant 0 : i32
    %dma_wait3A_37 = tpu.memref_slice %arg4[%dma_wait3A_35, %dma_wait3A_36] : memref<320000x128xf32, #tpu.memory_space<hbm>> -> memref<256x128xf32, #tpu.memory_space<hbm>>
    tpu.wait_dma2 semaphore(%arg16 : memref<!tpu.dma_semaphore, #tpu.memory_space<semaphore_mem>>) src(%arg11 : memref<256x128xf32, #tpu.memory_space<vmem>>) dst(%dma_wait3A_37 : memref<256x128xf32, #tpu.memory_space<hbm>>)
    %dma_wait3A_38 = arith.constant 0 : i32
    %dma_wait3A_39 = arith.constant 0 : i32
    %dma_wait3A_40 = tpu.memref_slice %arg4[%dma_wait3A_38, %dma_wait3A_39] : memref<320000x128xf32, #tpu.memory_space<hbm>> -> memref<256x128xf32, #tpu.memory_space<hbm>>
    %dma_wait3A_41 = arith.constant 0 : i32
    %dma_wait3A_42 = arith.constant 0 : i32
    %dma_wait3A_43 = tpu.memref_slice %arg4[%dma_wait3A_41, %dma_wait3A_42] : memref<320000x128xf32, #tpu.memory_space<hbm>> -> memref<256x128xf32, #tpu.memory_space<hbm>>
    tpu.wait_dma2 semaphore(%arg17 : memref<!tpu.dma_semaphore, #tpu.memory_space<semaphore_mem>>) src(%arg12 : memref<256x128xf32, #tpu.memory_space<vmem>>) dst(%dma_wait3A_43 : memref<256x128xf32, #tpu.memory_space<hbm>>)
    return
  }
}

module attributes {stable_mosaic.version = 14 : i64} {
  func.func @_table_body(%arg0: memref<7x128xf32, #tpu.memory_space<vmem>>, %arg1: memref<8x128xf32, #tpu.memory_space<vmem>>, %arg2: memref<4x128xf32, #tpu.memory_space<vmem>>, %arg3: memref<224x128xf32, #tpu.memory_space<vmem>>) attributes {dimension_semantics = [], scalar_prefetch = 0 : i64, scratch_operands = 0 : i64, tpu.core_type = #tpu.core_type<tc>} {
    %iota3A = tpu.iota {dimensions = array<i32: 0>} : vector<224x8xi32>
    %iota3A_0 = tpu.iota {dimensions = array<i32: 1>} : vector<224x8xi32>
    %jit3A = arith.constant 32 : i32
    %div3A = vector.broadcast %jit3A : i32 to vector<224x8xi32>
    %div3A_1 = arith.divsi %iota3A, %div3A : vector<224x8xi32>
    %sign3A = arith.constant 0 : i32
    %sign3A_2 = vector.broadcast %sign3A : i32 to vector<224x8xi32>
    %sign3A_3 = arith.cmpi sgt, %iota3A, %sign3A_2 : vector<224x8xi32>
    %sign3A_4 = arith.extui %sign3A_3 : vector<224x8xi1> to vector<224x8xi32>
    %sign3A_5 = arith.constant 0 : i32
    %sign3A_6 = vector.broadcast %sign3A_5 : i32 to vector<224x8xi32>
    %sign3A_7 = arith.cmpi slt, %iota3A, %sign3A_6 : vector<224x8xi32>
    %sign3A_8 = arith.extui %sign3A_7 : vector<224x8xi1> to vector<224x8xi32>
    %sign3A_9 = arith.subi %sign3A_4, %sign3A_8 : vector<224x8xi32>
    %sign3A_10 = arith.constant 0 : i32
    %sign3A_11 = arith.cmpi sgt, %jit3A, %sign3A_10 : i32
    %sign3A_12 = arith.extui %sign3A_11 : i1 to i32
    %sign3A_13 = arith.constant 0 : i32
    %sign3A_14 = arith.cmpi slt, %jit3A, %sign3A_13 : i32
    %sign3A_15 = arith.extui %sign3A_14 : i1 to i32
    %sign3A_16 = arith.subi %sign3A_12, %sign3A_15 : i32
    %ne3A = vector.broadcast %sign3A_16 : i32 to vector<224x8xi32>
    %ne3A_17 = arith.cmpi ne, %sign3A_9, %ne3A : vector<224x8xi32>
    %rem3A = vector.broadcast %jit3A : i32 to vector<224x8xi32>
    %rem3A_18 = arith.remsi %iota3A, %rem3A : vector<224x8xi32>
    %ne3A_19 = arith.constant 0 : i32
    %ne3A_20 = vector.broadcast %ne3A_19 : i32 to vector<224x8xi32>
    %ne3A_21 = arith.cmpi ne, %rem3A_18, %ne3A_20 : vector<224x8xi32>
    %and3A = arith.andi %ne3A_17, %ne3A_21 : vector<224x8xi1>
    %sub3A = arith.constant 1 : i32
    %sub3A_22 = vector.broadcast %sub3A : i32 to vector<224x8xi32>
    %sub3A_23 = arith.subi %div3A_1, %sub3A_22 : vector<224x8xi32>
    %select_n3A = arith.select %and3A, %sub3A_23, %div3A_1 : vector<224x8xi1>, vector<224x8xi32>
    %eq3A = arith.cmpi eq, %select_n3A, %iota3A_0 : vector<224x8xi32>
    %convert_element_type3A = arith.extui %eq3A : vector<224x8xi1> to vector<224x8xi32>
    %convert_element_type3A_24 = arith.sitofp %convert_element_type3A : vector<224x8xi32> to vector<224x8xf32>
    %slice3A = vector.extract_strided_slice %convert_element_type3A_24 {offsets = [0, 0], sizes = [224, 7], strides = [1, 1]} : vector<224x8xf32> to vector<224x7xf32>
    %jit3A_25 = arith.constant 4 : i32
    %div3A_26 = vector.broadcast %jit3A_25 : i32 to vector<224x8xi32>
    %div3A_27 = arith.divsi %iota3A, %div3A_26 : vector<224x8xi32>
    %sign3A_28 = arith.constant 0 : i32
    %sign3A_29 = vector.broadcast %sign3A_28 : i32 to vector<224x8xi32>
    %sign3A_30 = arith.cmpi sgt, %iota3A, %sign3A_29 : vector<224x8xi32>
    %sign3A_31 = arith.extui %sign3A_30 : vector<224x8xi1> to vector<224x8xi32>
    %sign3A_32 = arith.constant 0 : i32
    %sign3A_33 = vector.broadcast %sign3A_32 : i32 to vector<224x8xi32>
    %sign3A_34 = arith.cmpi slt, %iota3A, %sign3A_33 : vector<224x8xi32>
    %sign3A_35 = arith.extui %sign3A_34 : vector<224x8xi1> to vector<224x8xi32>
    %sign3A_36 = arith.subi %sign3A_31, %sign3A_35 : vector<224x8xi32>
    %sign3A_37 = arith.constant 0 : i32
    %sign3A_38 = arith.cmpi sgt, %jit3A_25, %sign3A_37 : i32
    %sign3A_39 = arith.extui %sign3A_38 : i1 to i32
    %sign3A_40 = arith.constant 0 : i32
    %sign3A_41 = arith.cmpi slt, %jit3A_25, %sign3A_40 : i32
    %sign3A_42 = arith.extui %sign3A_41 : i1 to i32
    %sign3A_43 = arith.subi %sign3A_39, %sign3A_42 : i32
    %ne3A_44 = vector.broadcast %sign3A_43 : i32 to vector<224x8xi32>
    %ne3A_45 = arith.cmpi ne, %sign3A_36, %ne3A_44 : vector<224x8xi32>
    %rem3A_46 = vector.broadcast %jit3A_25 : i32 to vector<224x8xi32>
    %rem3A_47 = arith.remsi %iota3A, %rem3A_46 : vector<224x8xi32>
    %ne3A_48 = arith.constant 0 : i32
    %ne3A_49 = vector.broadcast %ne3A_48 : i32 to vector<224x8xi32>
    %ne3A_50 = arith.cmpi ne, %rem3A_47, %ne3A_49 : vector<224x8xi32>
    %and3A_51 = arith.andi %ne3A_45, %ne3A_50 : vector<224x8xi1>
    %sub3A_52 = arith.constant 1 : i32
    %sub3A_53 = vector.broadcast %sub3A_52 : i32 to vector<224x8xi32>
    %sub3A_54 = arith.subi %div3A_27, %sub3A_53 : vector<224x8xi32>
    %select_n3A_55 = arith.select %and3A_51, %sub3A_54, %div3A_27 : vector<224x8xi1>, vector<224x8xi32>
    %jit3A_56 = arith.constant 8 : i32
    %eq3A_57 = arith.constant 0 : i32
    %eq3A_58 = arith.cmpi eq, %jit3A_56, %eq3A_57 : i32
    %jit3A_59 = arith.constant 1 : i32
    %select_n3A_60 = arith.select %eq3A_58, %jit3A_59, %jit3A_56 : i32
    %rem3A_61 = vector.broadcast %select_n3A_60 : i32 to vector<224x8xi32>
    %rem3A_62 = arith.remsi %select_n3A_55, %rem3A_61 : vector<224x8xi32>
    %ne3A_63 = arith.constant 0 : i32
    %ne3A_64 = vector.broadcast %ne3A_63 : i32 to vector<224x8xi32>
    %ne3A_65 = arith.cmpi ne, %rem3A_62, %ne3A_64 : vector<224x8xi32>
    %lt3A = arith.constant 0 : i32
    %lt3A_66 = vector.broadcast %lt3A : i32 to vector<224x8xi32>
    %lt3A_67 = arith.cmpi slt, %rem3A_62, %lt3A_66 : vector<224x8xi32>
    %lt3A_68 = arith.constant 0 : i32
    %lt3A_69 = arith.cmpi slt, %select_n3A_60, %lt3A_68 : i32
    %ne3A_70 = vector.broadcast %lt3A_69 : i1 to vector<224x8xi1>
    %ne3A_71 = vector.broadcast %ne3A_70 : vector<224x8xi1> to vector<224x8xi1>
    %ne3A_72 = arith.xori %lt3A_67, %ne3A_71 : vector<224x8xi1>
    %and3A_73 = arith.andi %ne3A_72, %ne3A_65 : vector<224x8xi1>
    %add3A = vector.broadcast %select_n3A_60 : i32 to vector<224x8xi32>
    %add3A_74 = arith.addi %rem3A_62, %add3A : vector<224x8xi32>
    %select_n3A_75 = arith.select %and3A_73, %add3A_74, %rem3A_62 : vector<224x8xi1>, vector<224x8xi32>
    %eq3A_76 = arith.cmpi eq, %select_n3A_75, %iota3A_0 : vector<224x8xi32>
    %convert_element_type3A_77 = arith.extui %eq3A_76 : vector<224x8xi1> to vector<224x8xi32>
    %convert_element_type3A_78 = arith.sitofp %convert_element_type3A_77 : vector<224x8xi32> to vector<224x8xf32>
    %jit3A_79 = arith.constant 4 : i32
    %eq3A_80 = arith.constant 0 : i32
    %eq3A_81 = arith.cmpi eq, %jit3A_79, %eq3A_80 : i32
    %jit3A_82 = arith.constant 1 : i32
    %select_n3A_83 = arith.select %eq3A_81, %jit3A_82, %jit3A_79 : i32
    %rem3A_84 = vector.broadcast %select_n3A_83 : i32 to vector<224x8xi32>
    %rem3A_85 = arith.remsi %iota3A, %rem3A_84 : vector<224x8xi32>
    %ne3A_86 = arith.constant 0 : i32
    %ne3A_87 = vector.broadcast %ne3A_86 : i32 to vector<224x8xi32>
    %ne3A_88 = arith.cmpi ne, %rem3A_85, %ne3A_87 : vector<224x8xi32>
    %lt3A_89 = arith.constant 0 : i32
    %lt3A_90 = vector.broadcast %lt3A_89 : i32 to vector<224x8xi32>
    %lt3A_91 = arith.cmpi slt, %rem3A_85, %lt3A_90 : vector<224x8xi32>
    %lt3A_92 = arith.constant 0 : i32
    %lt3A_93 = arith.cmpi slt, %select_n3A_83, %lt3A_92 : i32
    %ne3A_94 = vector.broadcast %lt3A_93 : i1 to vector<224x8xi1>
    %ne3A_95 = vector.broadcast %ne3A_94 : vector<224x8xi1> to vector<224x8xi1>
    %ne3A_96 = arith.xori %lt3A_91, %ne3A_95 : vector<224x8xi1>
    %and3A_97 = arith.andi %ne3A_96, %ne3A_88 : vector<224x8xi1>
    %add3A_98 = vector.broadcast %select_n3A_83 : i32 to vector<224x8xi32>
    %add3A_99 = arith.addi %rem3A_85, %add3A_98 : vector<224x8xi32>
    %select_n3A_100 = arith.select %and3A_97, %add3A_99, %rem3A_85 : vector<224x8xi1>, vector<224x8xi32>
    %eq3A_101 = arith.cmpi eq, %select_n3A_100, %iota3A_0 : vector<224x8xi32>
    %convert_element_type3A_102 = arith.extui %eq3A_101 : vector<224x8xi1> to vector<224x8xi32>
    %convert_element_type3A_103 = arith.sitofp %convert_element_type3A_102 : vector<224x8xi32> to vector<224x8xf32>
    %slice3A_104 = vector.extract_strided_slice %convert_element_type3A_103 {offsets = [0, 0], sizes = [224, 4], strides = [1, 1]} : vector<224x8xf32> to vector<224x4xf32>
    %get3A = arith.constant 0 : index
    %get3A_105 = arith.constant 0 : index
    %get3A_106 = vector.load %arg0[%get3A, %get3A_105] : memref<7x128xf32, #tpu.memory_space<vmem>>, vector<7x128xf32>
    %dot_general3A = arith.constant dense<0.000000e+00> : vector<224x128xf32>
    %dot_general3A_107 = tpu.matmul %slice3A, %get3A_106, %dot_general3A {dimension_numbers = #tpu.dot_dimension_numbers<[1], [0], [0], [1], [0, 0, 1, 1], [], []>, transpose_lhs_hint = false} : vector<224x7xf32>, vector<7x128xf32>, vector<224x128xf32> -> vector<224x128xf32>
    %get3A_108 = arith.constant 0 : index
    %get3A_109 = arith.constant 0 : index
    %get3A_110 = vector.load %arg1[%get3A_108, %get3A_109] : memref<8x128xf32, #tpu.memory_space<vmem>>, vector<8x128xf32>
    %dot_general3A_111 = arith.constant dense<0.000000e+00> : vector<224x128xf32>
    %dot_general3A_112 = tpu.matmul %convert_element_type3A_78, %get3A_110, %dot_general3A_111 {dimension_numbers = #tpu.dot_dimension_numbers<[1], [0], [0], [1], [0, 0, 1, 1], [], []>, transpose_lhs_hint = false} : vector<224x8xf32>, vector<8x128xf32>, vector<224x128xf32> -> vector<224x128xf32>
    %add3A_113 = arith.addf %dot_general3A_107, %dot_general3A_112 : vector<224x128xf32>
    %get3A_114 = arith.constant 0 : index
    %get3A_115 = arith.constant 0 : index
    %get3A_116 = vector.load %arg2[%get3A_114, %get3A_115] : memref<4x128xf32, #tpu.memory_space<vmem>>, vector<4x128xf32>
    %dot_general3A_117 = arith.constant dense<0.000000e+00> : vector<224x128xf32>
    %dot_general3A_118 = tpu.matmul %slice3A_104, %get3A_116, %dot_general3A_117 {dimension_numbers = #tpu.dot_dimension_numbers<[1], [0], [0], [1], [0, 0, 1, 1], [], []>, transpose_lhs_hint = false} : vector<224x4xf32>, vector<4x128xf32>, vector<224x128xf32> -> vector<224x128xf32>
    %add3A_119 = arith.addf %add3A_113, %dot_general3A_118 : vector<224x128xf32>
    %swap3A = arith.constant 0 : index
    %swap3A_120 = arith.constant 0 : index
    %swap3A_121 = vector.load %arg3[%swap3A, %swap3A_120] : memref<224x128xf32, #tpu.memory_space<vmem>>, vector<224x128xf32>
    tpu.vector_store %arg3[%swap3A, %swap3A_120], %add3A_119 {strides = array<i32>} : memref<224x128xf32, #tpu.memory_space<vmem>>, vector<224x128xf32>,
    return
  }
}

</mosaic_0001>

<sc_bundles>
// kernel: kernel.4.cloned.1.call-start
scs
__scs_entry_jumppad:
0x0: {  	(pc) =	sbr.rel $0x88, $3  }
0x1: {  	(tag) =	ssettag $0x0;
	lr =	simm.s32 $0x1  }
0x2: {  	[smem:$0x3F9D] =	sst lr;
	_ =	strace $0xD0000000  }
0x3: {  	_ = 	snop  }
0x4: {  	_ = 	snop  }
0x5: {  	_ = 	snop  }
0x6: {  	_ = 	snop  }
0x7: {  	_ = 	snop  }
__scs_overlays_trampoline_lowered:
0x8: {  	[smem:$0x3FAC] =	sst s0  }
0x9: {  	[smem:$0x3FAD] =	sst s1  }
0xa: {  	[smem:$0x3FAE] =	sst s2  }
0xb: {  	[smem:$0x3FAF] =	sst s3  }
0xc: {  	[smem:$0x3FB0] =	sst s4  }
0xd: {  	[smem:$0x3FB1] =	sst s5  }
0xe: {  	[smem:$0x3FB2] =	sst s6  }
0xf: {  	[smem:$0x3FB3] =	sst s7  }
0x10: {  	[smem:$0x3FB4] =	sst s8  }
0x11: {  	[smem:$0x3FB5] =	sst s9;
	s0 =	simm.s32 @!p0 $0x0  }
0x12: {  	s1 =	sld [smem:$0x3F9B];
	s0 =	simm.s32 @p0 $0x1  }
0x13: {  	[smem:$0x3FB6] =	sst s0;
	s0 =	simm.s32 @!p1 $0x0  }
0x14: {  	s2 =	sld [smem:$0x3F9A];
	s0 =	simm.s32 @p1 $0x1  }
0x15: {  	[smem:$0x3FB7] =	sst s0;
	s0 =	simm.s32 @!p2 $0x0  }
0x16: {  	s3 =	sld [smem:$0x3FDB];
	s0 =	simm.s32 @p2 $0x1  }
0x17: {  	s4 =	simm.s32 $0x1BF5;
	[smem:$0x3FB9] =	sst s0  }
0x18: {  	s0 =	sld [smem:$0x3F9C];
	_ =	swait.ge [sflag:s4], $0x0  }
0x19: {  	s7 =	sld [smem:$0x3F9D]  }
0x1a: {  	s8 =	sadd.s32 $0xFFFFE003, lr  }
0x1b: {  	s9 =	sadd.s32 $0xFFFFFEF7, lr;
	s5 =	simm.s32 $0xFFFFFFFF;
	p2 =	slt.u32 s8, $0xFFFFF086  }
0x1c: {  	p1 =	slt.u32 s9, $0xF7A;
	s5 =	simm.s32 @!p2 $0x0  }
0x1d: {  	s5 =	simm.s32 @p1 $0x1;
	p0 =	seq.s32 s7, s2  }
0x1e: {  	s7 =	smul.u32 @!p0 $0xF7A, s2;
	p2 =	seq.s32 @!p0 s5, $0x0  }
0x1f: {  	s9 =	smul.u32 $0xF7A, s1;
	s8 =	simm.s32 @!p0 $0x1BF5;
	p2 =	por !p2, p0  }
0x20: {  	[sflag:s8] =	ssyncset.s32 @!p0 $0xFFFFF086;
	s6 =	sadd.s32 @!p0 s3, s7;
	s7 =	simm.s32 @!p0 $0x108  }
0x21: {  	s3 =	sadd.s32 s3, s9;
	s6 =	sadd.s32 @!p0 $0x88, s6;
	s7 =	simm.s32 @p2 $0x1082  }
0x22: {  	[simem:s7], [sflag:s8] =	dma.local @!p0 [hbm:s6], $0xF7A  }
0x23: {  	s9 =	sor.u32 $0xD0000000, s2;
	s6 =	simm.s32 $0x108;
	_ =	swait.ge @!p0 [sflag:s8], $0x0  }
0x24: {  	s3 =	sadd.s32 $0x88, s3;
	s6 =	simm.s32 @!p1 $0x1082;
	[sflag:s4] =	ssyncset.s32 $0xFFFFF086  }
0x25: {  	[simem:s6], [sflag:s4] =	dma.local [hbm:s3], $0xF7A  }
0x26: {  	[smem:$0x3F9D] =	sst s1;
	(tag) =	ssettag s2;
	_ =	strace s9  }
0x27: {  	s1 =	sld [smem:$0x3FAD]  }
0x28: {  	s2 =	sld [smem:$0x3FAE]  }
0x29: {  	s4 =	sld [smem:$0x3FB0]  }
0x2a: {  	p0 =	seq.s32 s5, $0x0;
	s5 =	sld [smem:$0x3FB1]  }
0x2b: {  	s6 =	sld [smem:$0x3FB2]  }
0x2c: {  	s7 =	sld [smem:$0x3FB3]  }
0x2d: {  	s3 =	simm.s32 $0x108;
	s8 =	sld [smem:$0x3FB4]  }
0x2e: {  	s3 =	simm.s32 @!p0 $0x1082;
	s9 =	sld [smem:$0x3FB5]  }
0x2f: {  	lr =	sadd.s32 s0, s3;
	s0 =	sld [smem:$0x3FAC]  }
0x30: {  	s3 =	sld [smem:$0x3FAF]  }
0x31: {  	[smem:$0x3FB8] =	sst s10  }
0x32: {  	s10 =	sld [smem:$0x3FB6];
	_ =	sdelay $0x3  }
0x33: {  	p0 =	seq.s32 s10, $0x1;
	s10 =	sld [smem:$0x3FB8];
	_ =	sdelay $0x3  }
0x34: {  	[smem:$0x3FB8] =	sst s10  }
0x35: {  	s10 =	sld [smem:$0x3FB7];
	_ =	sdelay $0x3  }
0x36: {  	p1 =	seq.s32 s10, $0x1;
	s10 =	sld [smem:$0x3FB8];
	_ =	sdelay $0x3  }
0x37: {  	[smem:$0x3FB8] =	sst s10  }
0x38: {  	s10 =	sld [smem:$0x3FB9]  }
0x39: {  	_ = 	snop;
	(pc) =	sbr.ind lr, $3  }
0x3a: {  	_ = 	snop  }
0x3b: {  	_ = 	snop  }
0x3c: {  	p2 =	seq.s32 s10, $0x1;
	s10 =	sld [smem:$0x3FB8]  }
0x3d: {  	_ =	shalt  }
0x3e: {  	_ =	shalt  }
0x3f: {  	_ =	shalt  }
0x40: {  	_ =	shalt  }
0x41: {  	_ =	shalt  }
0x42: {  	_ =	shalt  }
0x43: {  	_ =	shalt  }
0x44: {  	_ =	shalt  }
0x45: {  	_ =	shalt  }
0x46: {  	_ =	shalt  }
0x47: {  	_ =	shalt  }
0x48: {  	_ =	shalt  }
0x49: {  	_ =	shalt  }
0x4a: {  	_ =	shalt  }
0x4b: {  	_ =	shalt  }
0x4c: {  	_ =	shalt  }
0x4d: {  	_ =	shalt  }
0x4e: {  	_ =	shalt  }
0x4f: {  	_ =	shalt  }
0x50: {  	_ =	shalt  }
0x51: {  	_ =	shalt  }
0x52: {  	_ =	shalt  }
0x53: {  	_ =	shalt  }
0x54: {  	_ =	shalt  }
0x55: {  	_ =	shalt  }
0x56: {  	_ =	shalt  }
0x57: {  	_ =	shalt  }
0x58: {  	_ =	shalt  }
0x59: {  	_ =	shalt  }
0x5a: {  	_ =	shalt  }
0x5b: {  	_ =	shalt  }
0x5c: {  	_ =	shalt  }
0x5d: {  	_ =	shalt  }
0x5e: {  	_ =	shalt  }
0x5f: {  	_ =	shalt  }
0x60: {  	_ =	shalt  }
0x61: {  	_ =	shalt  }
0x62: {  	_ =	shalt  }
0x63: {  	_ =	shalt  }
0x64: {  	_ =	shalt  }
0x65: {  	_ =	shalt  }
0x66: {  	_ =	shalt  }
0x67: {  	_ =	shalt  }
0x68: {  	_ =	shalt  }
0x69: {  	_ =	shalt  }
0x6a: {  	_ =	shalt  }
0x6b: {  	_ =	shalt  }
0x6c: {  	_ =	shalt  }
0x6d: {  	_ =	shalt  }
0x6e: {  	_ =	shalt  }
0x6f: {  	_ =	shalt  }
0x70: {  	_ =	shalt  }
0x71: {  	_ =	shalt  }
0x72: {  	_ =	shalt  }
0x73: {  	_ =	shalt  }
0x74: {  	_ =	shalt  }
0x75: {  	_ =	shalt  }
0x76: {  	_ =	shalt  }
0x77: {  	_ =	shalt  }
0x78: {  	_ =	shalt  }
0x79: {  	_ =	shalt  }
0x7a: {  	_ =	shalt  }
0x7b: {  	_ =	shalt  }
0x7c: {  	_ =	shalt  }
0x7d: {  	_ =	shalt  }
0x7e: {  	_ =	shalt  }
0x7f: {  	_ =	shalt  }
0x80: {  	_ =	shalt  }
0x81: {  	_ =	shalt  }
0x82: {  	_ =	shalt  }
0x83: {  	_ =	shalt  }
0x84: {  	_ =	shalt  }
0x85: {  	_ =	shalt  }
0x86: {  	_ =	shalt  }
0x87: {  	_ =	shalt  }
.Lfunc_end0:
.L_simem_size_0:
called_computation_lowered:
.L_overlay_start_0:
0x88: {  	s2 =	sld [smem:$0x3FD9]  }
0x89: {  	s3 =	sld [smem:$0x3FFE];
	_ =	sdelay $0x1  }
0x8a: {  	s1 =	srdreg.scid  }
0x8b: {  	s0 =	sand.u32 $0x1, s1  }
0x8c: {  	s17 =	sshll.u32 s0, $0xA;
	s2 =	sadd.s32 s3, s2  }
0x8d: {  	s2 =	sadd.s32 s2, s17  }
0x8e: {  	[smem:$0x3FC4] =	sst s2  }
0x8f: {  	_ = 	snop  }
0x90: {  	s2 =	sld [smem:$0x3FD0];
	(tm) =	ssettm $0x1  }
0x91: {  	s18 =	sld [smem:$0x3FFB];
	_ =	sdelay $0x3  }
0x92: {  	_ =	strace s18  }
0x93: {  	s3 =	sld [smem:$0x3FFC];
	_ =	sdelay $0x3  }
0x94: {  	_ =	strace s3  }
0x95: {  	s3 =	sld [smem:$0x3FFD];
	_ =	sdelay $0x3  }
0x96: {  	_ =	strace s3  }
0x97: {  	_ =	strace $0x8FFFFFFF  }
0x98: {  	s19 =	sld [smem:$0x3FDB];
	_ =	sdelay $0x1  }
0x99: {  	s4 =	simm.s32 $_scs_section_size  }
0x9a: {  	s5 =	simm.s32 $_size__tile_overlayer_lowered;
	s6 =	simm.s32 $_tile_overlayer_lowered  }
0x9b: {  	s22 =	simm.s32 $0x1BFF;
	s21 =	sshll.u32 s6, $0x1;
	s3 =	sadd.s32 s4, s19  }
0x9c: {  	s7 =	simm.s32 $0x0;
	s20 =	sshll.u32 s5, $0x1;
	s5 =	sadd.s32 s21, s3  }
0x9d: {  	[timem:s7], [sflag:s22] =	dma.local [hbm:s5], s20  }
0x9e: {  	_ =	swait.ge [sflag:s22], s20  }
0x9f: {  	s4 =	ssub.s32 $0x0, s20;
	[sflag:s22] =	ssyncset.done $0x0  }
0xa0: {  	[sflag:s22] =	ssyncadd.s32 s4;
	_ =	sdelay $0x1  }
0xa1: {  	s23 =	simm.s32 $0x1B8B  }
0xa2: {  	_ =	swait.ge [sflag:s23], $0x1  }
0xa3: {  	[sflag:s23] =	ssyncset.done $0x0  }
0xa4: {  	s25 =	simm.s32 $0x1B8E;
	s24 =	sld [smem:$0x3FFE];
	[sflag:s23] =	ssyncadd.s32 $0xFFFFFFFF  }
0xa5: {  	s26 =	simm.s32 $execute0_lowered;
	[smem:$0x3FD2] =	sst s25  }
0xa6: {  	s5 =	sshll.u32 s26, $0x1;
	_ =	strace $0x80000046;
	[dreg:$0x1] =	wrdreg $0xFFFFFFFF  }
0xa7: {  	s28 =	simm.s32 $_size_execute0_lowered;
	s3 =	sadd.s32 s3, s5;
	[dreg:$0x0] =	wrdreg $0x0  }
0xa8: {  	s5 =	sshll.u32 s28, $0x1;
	[dreg:$0x2] =	wrdreg s3  }
0xa9: {  	[dreg:$0x3] =	wrdreg s5  }
0xaa: {  	[dreg:$0x4] =	wrdreg $0xC0  }
0xab: {  	_ =	task [dreg:s7], $0x5FFFF  }
0xac: {  	[dreg:$0x1] =	wrdreg $0xFFFFFFFF  }
0xad: {  	[dreg:$0x0] =	wrdreg $0x60  }
0xae: {  	[dreg:$0x2] =	wrdreg s24  }
0xaf: {  	[dreg:$0x3] =	wrdreg s2  }
0xb0: {  	[dreg:$0x4] =	wrdreg $0x108000  }
0xb1: {  	[dreg:$0x5] =	wrdreg $0x9  }
0xb2: {  	_ =	task.clear_ibuf [dreg:s7], $0x6FFFF;
	_ =	strace $0x90000046  }
0xb3: {  	s29 =	simm.s32 $0x9;
	_ =	strace $0x80000048  }
0xb4: {  	_ =	swait.ge [sflag:s29], $0x1  }
0xb5: {  	[sflag:s29] =	ssyncadd.s32 $0xFFFFFFFF  }
0xb6: {  	_ =	strace $0x90000048  }
0xb7: {  	_ =	sfence  }
0xb8: {  	s30 =	sld [smem:$0x0];
	_ =	sdelay $0x2  }
0xb9: {  	s31 =	sshll.u32 s1, $0xD;
	s1 =	sshrl.u32 s1, $0x2  }
0xba: {  	s3 =	sand.u32 $0x4000, s31;
	s1 =	sadd.s32 s1, s30  }
0xbb: {  	s0 =	sor.u32 s3, s0;
	s1 =	sshll.u32 s1, $0x11  }
0xbc: {  	s0 =	sor.u32 s1, s0  }
0xbd: {  	s0 =	sadd.s32 $0x8F2B, s0  }
0xbe: {  	[sflag:s0] =	ssyncadd.remote.s32 $0x1  }
0xbf: {  	_ =	sfence.sel $0xFFFF  }
0xc0: {  	[dreg:$0x0] =	wrdreg $0xFFFFFFFF;
	(pc) =	sbr.abs _section_cstart, $3  }
0xc1: {  	[dreg:$0x1] =	wrdreg $0xFFFFFFFF  }
0xc2: {  	_ =	task.clear_ibuf [dreg:s7], $0x2FFFF;
	_ =	strace $0x9FFFFFFF  }
0xc3: {  	(tm) =	ssettm $0x7FFFFFFF  }
tec
execute0_lowered:
.L_overlay_start_1:
0x0: {  	(tag) =	ssettag $0x1  }
0x1: {  	s3 =	rddreg [dreg:$0x0]  }
0x2: {  	s7 =	rddreg [dreg:$0x1]  }
0x3: {  	s1 =	rddreg [dreg:$0x2]  }
0x4: {  	s0 =	rddreg [dreg:$0x3]  }
0x5: {  	s2 =	simm.s32 $0x0;
	s4 =	srdreg.scid;
	s8 =	stileid.u32  }
0x6: {  	s14 =	simm.s32 $0x680;
	s15 =	simm.s32 $0x4800;
	s16 =	simm.s32 $0x5  }
0x7: {  	s17 =	simm.s32 $0x2;
	s18 =	simm.s32 $0x700;
	s19 =	simm.s32 $0x8800  }
0x8: {  	s20 =	simm.s32 $0x780;
	s21 =	simm.s32 $0xC800;
	s22 =	simm.s32 $0x3  }
0x9: {  	s23 =	simm.s32 $0x4;
	s24 =	simm.s32 $0x0;
	[smem:$0x7FF] =	sst s2  }
0xa: {  	s9 =	sadd.s32 $0xC00, s3;
	s10 =	sand.u32 $0x1, s4;
	s29 =	sshll.u32 s8, $0x1  }
0xb: {  	s3 =	sadd.s32 $0x1E200, s3;
	s30 =	smul.u32 $0xC0, s8;
	s31 =	sshll.u32 s8, $0xD  }
0xc: {  	p0 =	sne.s32 s8, $0x0;
	_ =	strace $0x80000047;
	s5 =	ssub.s32 $0x2, s10  }
0xd: {  	s4 =	sor.u32 s10, s29;
	s13 =	smul.u32 $0x60, s10;
	s7 =	sadd.s32 s31, s7  }
0xe: {  	s10 =	sshll.u32 s10, $0xC;
	s6 =	sshrl.u32 s5, $0x1;
	s12 =	smul.u32 $0x60, s4  }
.Ltmp0:
0xf: {  	s11 =	ssub.s32 $0x501, s4;
	s7 =	sadd.s32 s10, s7;
	(pc) =	sbr.rel .LBB2_1-.Ltmp0, $4  }
0x10: {  	s10 =	simm.s32 $0x1;
	s6 =	ssub.s32 s5, s6;
	s4 =	sshrl.u32 s11, $0x5  }
0x11: {  	s11 =	simm.s32 $0x80;
	s5 =	sadd.s32 s9, s12;
	s9 =	sadd.s32 s30, s9  }
0x12: {  	s6 =	smax.u32 s6, $0x1;
	s12 =	simm.s32 $0x600;
	s9 =	sadd.s32 s13, s9  }
0x13: {  	s13 =	simm.s32 $0x800;
	s8 =	sadd.s32 $0xC00, s9;
	s9 =	sshrl.u32 @!p0 s1, $0x3  }
.LBB2_5:
0x14: {  	s24 =	sadd.s32 $0x1, s24  }
0x15: {  	_ =	swait.ge [sflag:s22], $0x8000;
	p1 =	sne.s32 s24, s6  }
.Ltmp1:
0x16: {  	[sflag:s22] =	ssyncset.done $0x0;
	(pc) =	sbr.rel @!p1 .LBB2_6-.Ltmp1, $4  }
0x17: {  	[sflag:s22] =	ssyncadd.s32 $0xFFFF8000  }
0x18: {  	_ =	swait.ge [sflag:s23], $0x8000  }
0x19: {  	[sflag:s23] =	ssyncset.done $0x0  }
0x1a: {  	[sflag:s23] =	ssyncadd.s32 $0xFFFF8000  }
.LBB2_1:
0x1b: {  	[tilespmem:s2], [sflag:$0x1] =	stream.linear.gather [hbm4b:s5+s2], $0x300, $0x38;
	[tilespmem:$0x10F00] =	vst v63  }
0x1c: {  	s25 =	simm.s32 @!p0 $0x1C06  }
0x1d: {  	[spmem:s9], [sflag:s25] =	dma.local @!p0 [hbm:s3], $0xE00  }
0x1e: {  	s25 =	simm.s32 @!p0 $0x6  }
.Ltmp2:
0x1f: {  	_ =	swait.ge @!p0 [sflag:s25], $0xE00;
	(pc) =	sbr.rel .LBB2_2-.Ltmp2, $4  }
0x20: {  	[sflag:s25] =	ssyncset.done @!p0 $0x0  }
0x21: {  	[sflag:s25] =	ssyncadd.s32 @!p0 $0xFFFFF200  }
0x22: {  	[bflag:$0x0] =	sbarrier.arrive $0xFFFF  }
0x23: {  	s26 =	smov.u32 s7;
	s28 =	simm.s32 $0x2;
	s25 =	smov.u32 s8  }
.LBB2_4:
0x24: {  	s28 =	sadd.s32 $0x2, s28  }
0x25: {  	p1 =	sne.s32 s28, $0x2A  }
.Ltmp3:
0x26: {  	_ = 	snop;
	(pc) =	sbr.rel @!p1 .LBB2_5-.Ltmp3, $2  }
0x27: {  	_ =	sdelay $0x2  }
0x28: {  	s26 =	sadd.s32 $0x40000, s26;
	s25 =	sadd.s32 $0x1800, s25  }
.LBB2_2:
0x29: {  	_ =	swait.ge [sflag:s10], $0x300;
	s29 =	sadd.s32 $0xFFFFFFFF, s28  }
0x2a: {  	[sflag:s10] =	ssyncset.done $0x0;
	p2 =	sge.u32 s29, s4  }
0x2b: {  	[sflag:s10] =	ssyncadd.s32 $0xFFFFFD00;
	s29 =	simm.s32 @!p2 $0x0;
	s30 =	simm.s32 @!p2 $0x300  }
0x2c: {  	[tilespmem:s30], [sflag:$0x2] =	stream.linear.gather @!p2 [hbm4b:s25+s29], $0x300, $0x38;
	[tilespmem:$0x10F00] =	vst v63  }
0x2d: {  	v0 =	vld [tilespmem:$0x0]  }
0x2e: {  	v1 =	vld [tilespmem:$0x100]  }
0x2f: {  	v2 =	vld [tilespmem:$0x200]  }
0x30: {  	v3 =	vld [tilespmem:$0x10]  }
0x31: {  	v4 =	vld [tilespmem:$0x110]  }
0x32: {  	v5 =	vld [tilespmem:$0x210]  }
0x33: {  	v6 =	vld [tilespmem:$0x20]  }
0x34: {  	v7 =	vld [tilespmem:$0x120]  }
0x35: {  	v8 =	vld [tilespmem:$0x220]  }
0x36: {  	v9 =	vld [tilespmem:$0x30]  }
0x37: {  	v10 =	vld [tilespmem:$0x130]  }
0x38: {  	v11 =	vld [tilespmem:$0x230]  }
0x39: {  	v12 =	vld [tilespmem:$0x40]  }
0x3a: {  	v13 =	vld [tilespmem:$0x140]  }
0x3b: {  	v14 =	vld [tilespmem:$0x240]  }
0x3c: {  	v15 =	vld [tilespmem:$0x50]  }
0x3d: {  	v16 =	vld [tilespmem:$0x150]  }
0x3e: {  	v17 =	vld [tilespmem:$0x250]  }
0x3f: {  	v18 =	vld [tilespmem:$0x60]  }
0x40: {  	v19 =	vld [tilespmem:$0x160]  }
0x41: {  	v20 =	vld [tilespmem:$0x260]  }
0x42: {  	v21 =	vld [tilespmem:$0x70]  }
0x43: {  	v22 =	vld [tilespmem:$0x170]  }
0x44: {  	v23 =	vld [tilespmem:$0x270]  }
0x45: {  	v24 =	vld [tilespmem:$0x80]  }
0x46: {  	v25 =	vld [tilespmem:$0x180]  }
0x47: {  	v26 =	vld [tilespmem:$0x280]  }
0x48: {  	v27 =	vld [tilespmem:$0x90]  }
0x49: {  	v28 =	vld [tilespmem:$0x190]  }
0x4a: {  	v29 =	vld [tilespmem:$0x290]  }
0x4b: {  	v30 =	vld [tilespmem:$0xA0];
	v0 =	vshll.u32 v0, $0x5  }
0x4c: {  	v45 =	vld [tilespmem:$0x1A0];
	v1 =	vshll.u32 v1, $0x2;
	v43 =	vshll.u32 v3, $0x5;
	v44 =	vshll.u32 v4, $0x2  }
0x4d: {  	v46 =	vld [tilespmem:$0x2A0];
	v47 =	vshll.u32 v6, $0x5;
	v48 =	vshll.u32 v7, $0x2;
	v50 =	vshll.u32 v9, $0x5  }
0x4e: {  	v49 =	vld [tilespmem:$0xB0];
	v51 =	vshll.u32 v10, $0x2;
	v53 =	vshll.u32 v12, $0x5;
	v54 =	vshll.u32 v13, $0x2  }
0x4f: {  	v52 =	vld [tilespmem:$0x1B0];
	v57 =	vshll.u32 v15, $0x5;
	v58 =	vshll.u32 v16, $0x2;
	v61 =	vshll.u32 v18, $0x5  }
0x50: {  	v55 =	vld [tilespmem:$0x2B0];
	v62 =	vshll.u32 v19, $0x2;
	v19 =	vshll.u32 v21, $0x5;
	v21 =	vshll.u32 v22, $0x2  }
0x51: {  	v56 =	vld [tilespmem:$0xC0];
	v33 =	vshll.u32 v24, $0x5;
	v34 =	vshll.u32 v25, $0x2;
	v0 =	vadd.s32 v0, v1  }
0x52: {  	v59 =	vld [tilespmem:$0x1C0];
	v36 =	vshll.u32 v27, $0x5;
	v1 =	vadd.s32 v43, v44;
	v0 =	vadd.s32 v2, v0  }
0x53: {  	v63 =	vld [tilespmem:$0x2C0];
	v40 =	vshll.u32 v30, $0x5;
	v3 =	vadd.s32 v47, v48;
	v1 =	vadd.s32 v5, v1;
	[tilespmem:$0x600] =	vst v0  }
0x54: {  	v32 =	vld [tilespmem:$0x1D0];
	v4 =	vshll.u32 v45, $0x2;
	v7 =	vadd.s32 v53, v54;
	v3 =	vadd.s32 v8, v3;
	[tilespmem:$0x610] =	vst v1  }
0x55: {  	v35 =	vld [tilespmem:$0x2D0];
	v37 =	vshll.u32 v28, $0x2;
	v4 =	vadd.s32 v40, v4;
	v7 =	vadd.s32 v14, v7;
	[tilespmem:$0x620] =	vst v3  }
0x56: {  	v38 =	vld [tilespmem:$0xE0];
	v45 =	vshll.u32 v52, $0x2;
	v5 =	vadd.s32 v50, v51;
	v2 =	vadd.s32 v46, v4;
	[tilespmem:$0x640] =	vst v7  }
0x57: {  	v41 =	vld [tilespmem:$0x1E0];
	v60 =	vadd.s32 v57, v58;
	v18 =	vadd.s32 v61, v62;
	v5 =	vadd.s32 v11, v5;
	[tilespmem:$0x6A0] =	vst v2  }
0x58: {  	v22 =	vld [tilespmem:$0xD0];
	v31 =	vadd.s32 v19, v21;
	v39 =	vadd.s32 v36, v37;
	v0 =	vadd.s32 v17, v60;
	[tilespmem:$0x630] =	vst v5  }
0x59: {  	v43 =	vld [tilespmem:$0xF0];
	v44 =	vshll.u32 v49, $0x5;
	v48 =	vshll.u32 v56, $0x5;
	v1 =	vadd.s32 v20, v18;
	[tilespmem:$0x650] =	vst v0  }
0x5a: {  	v49 =	vshll.u32 v59, $0x2;
	v53 =	vshll.u32 v32, $0x2;
	v46 =	vld [tilespmem:$0x1F0];
	v3 =	vadd.s32 v23, v31;
	[tilespmem:$0x660] =	vst v1  }
0x5b: {  	v57 =	vshll.u32 v38, $0x5;
	v47 =	vadd.s32 v44, v45;
	v50 =	vld [tilespmem:$0x2E0];
	v0 =	vadd.s32 v29, v39;
	[tilespmem:$0x670] =	vst v3  }
0x5c: {  	v54 =	vld [tilespmem:$0x2F0];
	v58 =	vshll.u32 v41, $0x2;
	v5 =	vadd.s32 v33, v34;
	v1 =	vadd.s32 v55, v47;
	[tilespmem:$0x690] =	vst v0  }
0x5d: {  	v51 =	vadd.s32 v48, v49;
	v42 =	vadd.s32 v26, v5;
	v52 =	vshll.u32 v22, $0x5;
	[tilespmem:$0x6B0] =	vst v1  }
0x5e: {  	v59 =	vadd.s32 v57, v58;
	v0 =	vadd.s32 v63, v51;
	[tilespmem:$0x680] =	vst v42;
	v55 =	vadd.s32 v52, v53  }
0x5f: {  	[tilespmem:$0x6C0] =	vst v0;
	v60 =	vshll.u32 v43, $0x5;
	v56 =	vadd.s32 v35, v55;
	v61 =	vshll.u32 v46, $0x2  }
0x60: {  	v0 =	vadd.s32 v50, v59;
	[tilespmem:$0x6D0] =	vst v56;
	v62 =	vadd.s32 v60, v61  }
0x61: {  	p1 =	seq.s32 s28, $0x2;
	[tilespmem:$0x6E0] =	vst v0;
	v63 =	vadd.s32 v54, v62  }
0x62: {  	s29 =	simm.s32 @!p1 $0x3;
	[tilespmem:$0x6F0] =	vst v63  }
0x63: {  	_ =	swait.ge @!p1 [sflag:s29], $0x8000  }
0x64: {  	[sflag:s29] =	ssyncset.done @!p1 $0x0  }
0x65: {  	[sflag:s29] =	ssyncadd.s32 @!p1 $0xFFFF8000  }
0x66: {  	[tilespmem:s13], [sflag:$0x5] =	stream.indirect.gather [spmem:s1], $0x80, s12, s11, $0xb8;
	[tilespmem:$0x10F00] =	vst v63  }
0x67: {  	_ = 	snop  }
0x68: {  	[tilespmem:s15], [sflag:$0x5] =	stream.indirect.gather [spmem:s1], $0x80, s14, s11, $0xb8;
	[tilespmem:$0x10F00] =	vst v63  }
0x69: {  	_ =	swait.ge [sflag:s16], $0x4000  }
0x6a: {  	[sflag:s16] =	ssyncset.done $0x0  }
.Ltmp4:
0x6b: {  	[sflag:s16] =	ssyncadd.s32 $0xFFFFC000;
	(pc) =	sbr.rel @p2 .LBB2_4-.Ltmp4, $4  }
0x6c: {  	_ =	swait.ge [sflag:s16], $0x4000  }
0x6d: {  	[sflag:s16] =	ssyncset.done $0x0  }
0x6e: {  	[sflag:s16] =	ssyncadd.s32 $0xFFFFC000  }
0x6f: {  	[hbm4b:s26+s2] =	stream.linear.scatter [tilespmem:s13], [sflag:$0x3], $0x8000, $0x38;
	[tilespmem:$0x10F00] =	vst v63  }
0x70: {  	_ =	swait.ge [sflag:s17], $0x300  }
0x71: {  	p2 =	sge.u32 s28, s4;
	[sflag:s17] =	ssyncset.done $0x0  }
0x72: {  	s29 =	sadd.s32 @!p2 $0xC00, s25;
	s30 =	simm.s32 @!p2 $0x0;
	[sflag:s17] =	ssyncadd.s32 $0xFFFFFD00  }
0x73: {  	[tilespmem:s30], [sflag:$0x1] =	stream.linear.gather @!p2 [hbm4b:s29+s30], $0x300, $0x38;
	[tilespmem:$0x10F00] =	vst v63  }
0x74: {  	v0 =	vld [tilespmem:$0x300]  }
0x75: {  	v1 =	vld [tilespmem:$0x400]  }
0x76: {  	v2 =	vld [tilespmem:$0x500]  }
0x77: {  	v3 =	vld [tilespmem:$0x310]  }
0x78: {  	v4 =	vld [tilespmem:$0x410]  }
0x79: {  	v5 =	vld [tilespmem:$0x510]  }
0x7a: {  	v6 =	vld [tilespmem:$0x320]  }
0x7b: {  	v7 =	vld [tilespmem:$0x420]  }
0x7c: {  	v8 =	vld [tilespmem:$0x520]  }
0x7d: {  	v9 =	vld [tilespmem:$0x330]  }
0x7e: {  	v10 =	vld [tilespmem:$0x430]  }
0x7f: {  	v11 =	vld [tilespmem:$0x530]  }
0x80: {  	v12 =	vld [tilespmem:$0x340]  }
0x81: {  	v13 =	vld [tilespmem:$0x440]  }
0x82: {  	v14 =	vld [tilespmem:$0x540]  }
0x83: {  	v15 =	vld [tilespmem:$0x350]  }
0x84: {  	v16 =	vld [tilespmem:$0x450]  }
0x85: {  	v17 =	vld [tilespmem:$0x550]  }
0x86: {  	v18 =	vld [tilespmem:$0x360]  }
0x87: {  	v19 =	vld [tilespmem:$0x460]  }
0x88: {  	v20 =	vld [tilespmem:$0x560]  }
0x89: {  	v21 =	vld [tilespmem:$0x370]  }
0x8a: {  	v22 =	vld [tilespmem:$0x470]  }
0x8b: {  	v23 =	vld [tilespmem:$0x570]  }
0x8c: {  	v24 =	vld [tilespmem:$0x380]  }
0x8d: {  	v25 =	vld [tilespmem:$0x480]  }
0x8e: {  	v26 =	vld [tilespmem:$0x580]  }
0x8f: {  	v27 =	vld [tilespmem:$0x390]  }
0x90: {  	v28 =	vld [tilespmem:$0x490]  }
0x91: {  	v29 =	vld [tilespmem:$0x590]  }
0x92: {  	v30 =	vld [tilespmem:$0x3A0];
	v0 =	vshll.u32 v0, $0x5  }
0x93: {  	v45 =	vld [tilespmem:$0x4A0];
	v1 =	vshll.u32 v1, $0x2;
	v43 =	vshll.u32 v3, $0x5;
	v44 =	vshll.u32 v4, $0x2  }
0x94: {  	v46 =	vld [tilespmem:$0x5A0];
	v47 =	vshll.u32 v6, $0x5;
	v48 =	vshll.u32 v7, $0x2;
	v50 =	vshll.u32 v9, $0x5  }
0x95: {  	v49 =	vld [tilespmem:$0x3B0];
	v51 =	vshll.u32 v10, $0x2;
	v53 =	vshll.u32 v12, $0x5;
	v54 =	vshll.u32 v13, $0x2  }
0x96: {  	v52 =	vld [tilespmem:$0x4B0];
	v57 =	vshll.u32 v15, $0x5;
	v58 =	vshll.u32 v16, $0x2;
	v61 =	vshll.u32 v18, $0x5  }
0x97: {  	v55 =	vld [tilespmem:$0x5B0];
	v62 =	vshll.u32 v19, $0x2;
	v19 =	vshll.u32 v21, $0x5;
	v21 =	vshll.u32 v22, $0x2  }
0x98: {  	v56 =	vld [tilespmem:$0x3C0];
	v33 =	vshll.u32 v24, $0x5;
	v34 =	vshll.u32 v25, $0x2;
	v0 =	vadd.s32 v0, v1  }
0x99: {  	v59 =	vld [tilespmem:$0x4C0];
	v36 =	vshll.u32 v27, $0x5;
	v1 =	vadd.s32 v43, v44;
	v0 =	vadd.s32 v2, v0  }
0x9a: {  	v63 =	vld [tilespmem:$0x5C0];
	v40 =	vshll.u32 v30, $0x5;
	v3 =	vadd.s32 v47, v48;
	v1 =	vadd.s32 v5, v1;
	[tilespmem:$0x700] =	vst v0  }
0x9b: {  	v32 =	vld [tilespmem:$0x4D0];
	v4 =	vshll.u32 v45, $0x2;
	v7 =	vadd.s32 v53, v54;
	v3 =	vadd.s32 v8, v3;
	[tilespmem:$0x710] =	vst v1  }
0x9c: {  	v35 =	vld [tilespmem:$0x5D0];
	v37 =	vshll.u32 v28, $0x2;
	v4 =	vadd.s32 v40, v4;
	v7 =	vadd.s32 v14, v7;
	[tilespmem:$0x720] =	vst v3  }
0x9d: {  	v38 =	vld [tilespmem:$0x3E0];
	v45 =	vshll.u32 v52, $0x2;
	v5 =	vadd.s32 v50, v51;
	v2 =	vadd.s32 v46, v4;
	[tilespmem:$0x740] =	vst v7  }
0x9e: {  	v41 =	vld [tilespmem:$0x4E0];
	v60 =	vadd.s32 v57, v58;
	v18 =	vadd.s32 v61, v62;
	v5 =	vadd.s32 v11, v5;
	[tilespmem:$0x7A0] =	vst v2  }
0x9f: {  	v22 =	vld [tilespmem:$0x3D0];
	v31 =	vadd.s32 v19, v21;
	v39 =	vadd.s32 v36, v37;
	v0 =	vadd.s32 v17, v60;
	[tilespmem:$0x730] =	vst v5  }
0xa0: {  	v43 =	vld [tilespmem:$0x3F0];
	v44 =	vshll.u32 v49, $0x5;
	v48 =	vshll.u32 v56, $0x5;
	v1 =	vadd.s32 v20, v18;
	[tilespmem:$0x750] =	vst v0  }
0xa1: {  	v49 =	vshll.u32 v59, $0x2;
	v53 =	vshll.u32 v32, $0x2;
	v46 =	vld [tilespmem:$0x4F0];
	v3 =	vadd.s32 v23, v31;
	[tilespmem:$0x760] =	vst v1  }
0xa2: {  	v57 =	vshll.u32 v38, $0x5;
	v47 =	vadd.s32 v44, v45;
	v50 =	vld [tilespmem:$0x5E0];
	v0 =	vadd.s32 v29, v39;
	[tilespmem:$0x770] =	vst v3  }
0xa3: {  	v54 =	vld [tilespmem:$0x5F0];
	v58 =	vshll.u32 v41, $0x2;
	v5 =	vadd.s32 v33, v34;
	v1 =	vadd.s32 v55, v47;
	[tilespmem:$0x790] =	vst v0  }
0xa4: {  	v51 =	vadd.s32 v48, v49;
	v42 =	vadd.s32 v26, v5;
	v52 =	vshll.u32 v22, $0x5;
	[tilespmem:$0x7B0] =	vst v1  }
0xa5: {  	v59 =	vadd.s32 v57, v58;
	v0 =	vadd.s32 v63, v51;
	[tilespmem:$0x780] =	vst v42;
	v55 =	vadd.s32 v52, v53  }
0xa6: {  	[tilespmem:$0x7C0] =	vst v0;
	v60 =	vshll.u32 v43, $0x5;
	v56 =	vadd.s32 v35, v55;
	v61 =	vshll.u32 v46, $0x2  }
0xa7: {  	v0 =	vadd.s32 v50, v59;
	[tilespmem:$0x7D0] =	vst v56;
	v62 =	vadd.s32 v60, v61  }
0xa8: {  	[tilespmem:$0x7E0] =	vst v0;
	v63 =	vadd.s32 v54, v62  }
0xa9: {  	s29 =	simm.s32 @!p1 $0x4;
	[tilespmem:$0x7F0] =	vst v63  }
0xaa: {  	_ =	swait.ge @!p1 [sflag:s29], $0x8000  }
0xab: {  	[sflag:s29] =	ssyncset.done @!p1 $0x0  }
0xac: {  	[sflag:s29] =	ssyncadd.s32 @!p1 $0xFFFF8000  }
0xad: {  	[tilespmem:s19], [sflag:$0x5] =	stream.indirect.gather [spmem:s1], $0x80, s18, s11, $0xb8;
	[tilespmem:$0x10F00] =	vst v63  }
0xae: {  	_ = 	snop  }
0xaf: {  	[tilespmem:s21], [sflag:$0x5] =	stream.indirect.gather [spmem:s1], $0x80, s20, s11, $0xb8;
	[tilespmem:$0x10F00] =	vst v63  }
0xb0: {  	_ =	swait.ge [sflag:s16], $0x4000  }
0xb1: {  	[sflag:s16] =	ssyncset.done $0x0  }
.Ltmp5:
0xb2: {  	[sflag:s16] =	ssyncadd.s32 $0xFFFFC000;
	(pc) =	sbr.rel .LBB2_4-.Ltmp5, $4  }
0xb3: {  	_ =	swait.ge [sflag:s16], $0x4000  }
0xb4: {  	[sflag:s16] =	ssyncset.done $0x0  }
0xb5: {  	s31 =	sadd.s32 $0x20000, s26;
	[sflag:s16] =	ssyncadd.s32 $0xFFFFC000  }
0xb6: {  	[hbm4b:s31+s2] =	stream.linear.scatter [tilespmem:s19], [sflag:$0x4], $0x8000, $0x38;
	[tilespmem:$0x10F00] =	vst v63  }
.LBB2_6:
0xb7: {  	_ =	sfence.sel $0x180000  }
0xb8: {  	[bflag:$0x0] =	sbarrier.arrive $0xFFFF  }
0xb9: {  	_ =	strace $0x90000047  }
0xba: {  	s0 =	sadd.s32 @!p0 $0x100000, s0;
	[bflag:$0x2] =	sbarrier.arrive $0xFFFF  }
0xbb: {  	[sflag:s0] =	ssyncadd.tile.s32 @!p0 $0x1;
	_ =	shalt  }
.Lfunc_end2:
_tile_overlayer_lowered:
.L_overlay_start_2:
0xbc: {  	(tag) =	ssettag $0x2  }
0xbd: {  	s0 =	rddreg [dreg:$0x0];
	s2 =	stileid.u32  }
0xbe: {  	s1 =	rddreg [dreg:$0x1];
	p0 =	sne.s32 s2, $0x0  }
0xbf: {  	s3 =	rddreg [dreg:$0x2];
	[bflag:$0x3] =	sbarrier.arrive $0xFFFF;
	s2 =	simm.s32 @!p0 $0x1C06  }
0xc0: {  	[timem:s3], [sflag:s2] =	dma.local @!p0 [hbm:s0], s1  }
0xc1: {  	s0 =	simm.s32 @!p0 $0x6  }
0xc2: {  	_ =	swait.ge @!p0 [sflag:s0], s1  }
0xc3: {  	s1 =	ssub.s32 @!p0 $0x0, s1;
	[sflag:s0] =	ssyncset.done @!p0 $0x0  }
0xc4: {  	[sflag:s0] =	ssyncadd.s32 @!p0 s1  }
0xc5: {  	[bflag:$0x3] =	sbarrier.arrive $0xFFFF  }
0xc6: {  	_ =	shalt  }

</sc_bundles>
